<compile_context>
chip_gen: v7x
topology: tpu7x:2x2x1
jax: 0.10.2.dev20260603
libtpu: 0.0.44.dev20260713+nightly
codegen_flags: <defaults>
</compile_context>

<pallas_src>
import functools

import jax
import jax.numpy as jnp
import numpy as np
from jax import lax
from jax.experimental import pallas as pl
from jax.experimental.pallas import tpu as pltpu
from jax.experimental.pallas import tpu_sc as plsc

P, T, D, OBS = 4096, 51, 64, 128
HIST = 50
H1, H2 = 512, 256
EPS = 1e-09
FLAT = (HIST + 1) * D

BP = 512
BR = 1024

_INTERPRET = False


def _forward_body(flat_ref, yt_ref, w1_ref, b1_ref, w2_ref, b2_ref,
                  wc1_ref, bc1_ref, wc2_ref, bc2_ref,
                  wo1_ref, bo1_ref, wo2_ref, bo2_ref,
                  ext_ref, mean_ref, lg_ref):
    flat = flat_ref[...]
    h = jnp.tanh(jnp.dot(flat, w1_ref[...],
                         preferred_element_type=jnp.float32) + b1_ref[...])
    u = jnp.dot(h, w2_ref[...], preferred_element_type=jnp.float32) + b2_ref[...]
    ext_ref[...] = jnp.concatenate([flat, u], axis=1)
    ho = jnp.tanh(jnp.dot(u, wo1_ref[...],
                          preferred_element_type=jnp.float32) + bo1_ref[...])
    mean_ref[...] = jnp.dot(ho, wo2_ref[...],
                            preferred_element_type=jnp.float32) + bo2_ref[...]
    hc = jnp.tanh(jnp.dot(u, wc1_ref[...],
                          preferred_element_type=jnp.float32) + bc1_ref[...])
    lg_ref[...] = jnp.dot(hc, wc2_ref[...],
                          preferred_element_type=jnp.float32) + bc2_ref[...]


def _forward(flat, yt, W1, b1, W2, b2, Wc1, bc1, Wc2, bc2, Wo1, bo1, Wo2, bo2):
    n_blocks = P // BP
    full = lambda a: pl.BlockSpec(a.shape, lambda i: (0,) * a.ndim)
    return pl.pallas_call(
        _forward_body,
        grid=(n_blocks,),
        in_specs=[
            pl.BlockSpec((BP, FLAT), lambda i: (i, 0)),
            full(yt), full(W1), full(b1), full(W2), full(b2),
            full(Wc1), full(bc1), full(Wc2), full(bc2),
            full(Wo1), full(bo1), full(Wo2), full(bo2),
        ],
        out_specs=[
            pl.BlockSpec((BP, FLAT + D), lambda i: (i, 0)),
            pl.BlockSpec((BP, OBS), lambda i: (i, 0)),
            pl.BlockSpec((BP, 1), lambda i: (i, 0)),
        ],
        out_shape=[
            jax.ShapeDtypeStruct((P, FLAT + D), jnp.float32),
            jax.ShapeDtypeStruct((P, OBS), jnp.float32),
            jax.ShapeDtypeStruct((P, 1), jnp.float32),
        ],
        interpret=_INTERPRET,
    )(flat, yt, W1, b1, W2, b2, Wc1, bc1, Wc2, bc2, Wo1, bo1, Wo2, bo2)


CC = 1024

_ROTS = (13, 15, 26, 6, 17, 29, 16, 24)
_KS = (np.uint32(0), np.uint32(42), np.uint32(0 ^ 42 ^ 0x1BD11BDA))
_TINY = np.float32(np.finfo(np.float32).tiny)
_SUB = np.float32(np.float32(1.0) - _TINY)


def _rotl(x, r):
    return jax.lax.shift_left(x, np.uint32(r)) | jax.lax.shift_right_logical(
        x, np.uint32(32 - r))


def _threefry_gumbel(m):
    x0 = jnp.zeros_like(m) + _KS[0]
    x1 = m + _KS[1]
    for i in range(5):
        for r in _ROTS[:4] if i % 2 == 0 else _ROTS[4:]:
            x0 = x0 + x1
            x1 = x0 ^ _rotl(x1, r)
        x0 = x0 + _KS[(i + 1) % 3]
        x1 = x1 + _KS[(i + 2) % 3] + np.uint32(i + 1)
    bits = x0 ^ x1
    fb = jax.lax.shift_right_logical(bits, np.uint32(9)) | np.uint32(0x3F800000)
    f = jax.lax.bitcast_convert_type(fb, jnp.float32) - np.float32(1.0)
    u = jnp.maximum(_TINY, f * _SUB + _TINY)
    return -jnp.log(-jnp.log(u))


def _sample_body(l_ref, ix_ref):
    i = pl.program_id(0)
    row0 = (i * BR).astype(jnp.uint32)
    rows = jax.lax.broadcasted_iota(jnp.uint32, (BR, CC), 0)
    cols = jax.lax.broadcasted_iota(jnp.uint32, (BR, CC), 1)
    m_best = None
    ix_best = None
    for c in range(P // CC):
        m = (row0 + rows) * np.uint32(P) + cols + np.uint32(c * CC)
        g = _threefry_gumbel(m)
        scores = g + l_ref[0, c * CC:(c + 1) * CC][None, :]
        mx = jnp.max(scores, axis=1, keepdims=True)
        cix = jax.lax.broadcasted_iota(jnp.int32, (BR, CC), 1) + c * CC
        cand = jnp.where(scores == mx, cix, jnp.int32(P))
        ix = jnp.min(cand, axis=1, keepdims=True)
        if m_best is None:
            m_best, ix_best = mx, ix
        else:
            ix_best = jnp.where(mx > m_best, ix, ix_best)
            m_best = jnp.maximum(mx, m_best)
    ix_ref[...] = ix_best


def _sample_argmax(logits):
    return pl.pallas_call(
        _sample_body,
        grid=(P // BR,),
        in_specs=[pl.BlockSpec((1, P), lambda i: (0, 0))],
        out_specs=pl.BlockSpec((BR, 1), lambda i: (i, 0)),
        out_shape=jax.ShapeDtypeStruct((P, 1), jnp.int32),
        interpret=_INTERPRET,
    )(logits.reshape(1, P))


_NC, _NS = 2, 16
_NW = _NC * _NS
_BW = P // _NW
_CH = 16


def _sc_gather(ix, ext):
    mesh = plsc.VectorSubcoreMesh(core_axis_name="c", subcore_axis_name="s")

    @functools.partial(
        pl.kernel,
        mesh=mesh,
        out_type=jax.ShapeDtypeStruct((P, FLAT + D), jnp.float32),
        scratch_types=[
            pltpu.VMEM((_BW,), jnp.int32),
            pltpu.VMEM((_CH, FLAT + D), jnp.float32),
            pltpu.SemaphoreType.DMA,
        ],
    )
    def k(ix_hbm, ext_hbm, out_hbm, idx_v, rows_v, sem1):
        wid = lax.axis_index("s") * _NC + lax.axis_index("c")
        base = wid * _BW
        pltpu.sync_copy(ix_hbm.at[pl.ds(base, _BW)], idx_v)
        for t in range(_BW // _CH):
            idx_c = idx_v.at[pl.ds(t * _CH, _CH)]
            pltpu.async_copy(ext_hbm.at[idx_c], rows_v, sem1).wait()
            pltpu.sync_copy(rows_v, out_hbm.at[pl.ds(base + t * _CH, _CH)])

    return k(ix, ext)


def kernel(yt, particle_trace, W1, b1, W2, b2, Wc1, bc1, Wc2, bc2,
           Wo1, bo1, Wo2, bo2):
    flat = particle_trace.reshape(P, FLAT)
    ext, mean, lg = _forward(flat, yt, W1, b1, W2, b2, Wc1, bc1, Wc2, bc2,
                             Wo1, bo1, Wo2, bo2)
    diff = yt.reshape(1, -1) - mean
    observation_prob = jnp.exp(-0.5 * jnp.mean(diff * diff, axis=1))
    temp = (lg[:, 0] > 0.0).astype(jnp.float32)
    prob = jnp.where(jnp.sum(temp) == 0.0,
                     observation_prob + EPS,
                     observation_prob * temp + EPS)
    Wnorm = prob / jnp.sum(prob, axis=0)
    logits = jnp.log(Wnorm + 1e-30)
    ix = _sample_argmax(logits)[:, 0]
    out = _sc_gather(ix, ext)
    return out.reshape(P, T + 1, D)

# --- scband reference (transcript-rebuilt; emitter-appended) ---
"""Pipeline reference for scband-deep-direct-discriminative-decoder-28733331210515 (READ-ONLY COPY).

The authoritative reference and input builder live on the scoring server;
editing this copy changes nothing except your own understanding.
"""

import jax, jax.numpy as jnp
import numpy as np

P, T, D, OBS = 4096, 51, 64, 128
HIST = 50
H1, H2 = 512, 256
EPS = 1e-09


def setup_inputs(seed: int = 0) -> dict:
    key = jax.random.key(seed)
    ks = jax.random.split(key, 16)
    flat_dim = (HIST + 1) * D
    yt = jax.random.normal(ks[0], (1, OBS), dtype=jnp.float32)
    particle_trace = jax.random.normal(ks[1], (P, T, D), dtype=jnp.float32)
    # state_process.predict MLP: flattened window -> H1 -> D
    W1 = jax.random.normal(ks[2], (flat_dim, H1), dtype=jnp.float32) * 0.02
    b1 = jnp.zeros((H1,), dtype=jnp.float32)
    W2 = jax.random.normal(ks[3], (H1, D), dtype=jnp.float32) * 0.05
    b2 = jnp.zeros((D,), dtype=jnp.float32)
    # state_process.clf MLP: D -> H2 -> 1 (in-maze classifier)
    Wc1 = jax.random.normal(ks[4], (D, H2), dtype=jnp.float32) * 0.1
    bc1 = jnp.zeros((H2,), dtype=jnp.float32)
    Wc2 = jax.random.normal(ks[5], (H2, 1), dtype=jnp.float32) * 0.1
    bc2 = jnp.zeros((1,), dtype=jnp.float32)
    # observation_process: particle -> predicted observation mean, Gaussian prob
    Wo1 = jax.random.normal(ks[6], (D, H2), dtype=jnp.float32) * 0.1
    bo1 = jnp.zeros((H2,), dtype=jnp.float32)
    Wo2 = jax.random.normal(ks[7], (H2, OBS), dtype=jnp.float32) * 0.1
    bo2 = jnp.zeros((OBS,), dtype=jnp.float32)
    return {"yt": yt, "particle_trace": particle_trace,
            "W1": W1, "b1": b1, "W2": W2, "b2": b2,
            "Wc1": Wc1, "bc1": bc1, "Wc2": Wc2, "bc2": bc2,
            "Wo1": Wo1, "bo1": bo1, "Wo2": Wo2, "bo2": bo2}


def reference(yt, particle_trace, W1, b1, W2, b2, Wc1, bc1, Wc2, bc2, Wo1, bo1, Wo2, bo2):
    n_particles = particle_trace.shape[0]
    # state_process.predict over the last (history_length+1) steps
    window = particle_trace[:, -(HIST + 1):, :]
    flat = window.reshape(n_particles, -1)
    h = jnp.tanh(flat @ W1 + b1)
    unweighted = h @ W2 + b2  # [P, D]
    # importance_resample: observation_process.prob(yt, unweighted_particles)
    ho = jnp.tanh(unweighted @ Wo1 + bo1)
    mean = ho @ Wo2 + bo2  # [P, OBS]
    diff = yt.reshape(1, -1) - mean
    observation_prob = jnp.exp(-0.5 * jnp.mean(diff * diff, axis=1))  # [P]
    # state_process.clf -> binary in-maze indicator
    hc = jnp.tanh(unweighted @ Wc1 + bc1)
    logits = (hc @ Wc2 + bc2)[:, 0]
    temp = (logits > 0.0).astype(jnp.float32)  # [P]
    prob = jnp.where(jnp.sum(temp) == 0.0,
                     observation_prob + EPS,
                     observation_prob * temp + EPS)
    Wnorm = prob / jnp.sum(prob, axis=0)
    # multinomial resampling with replacement (fixed key for determinism)
    ix = jax.random.categorical(jax.random.key(42), jnp.log(Wnorm + 1e-30), shape=(n_particles,))
    weighted = jnp.take(unweighted, ix, axis=0)  # gather [P, D]
    resampled_trace = jnp.take(particle_trace, ix, axis=0)  # gather [P, T, D]
    new_trace = jnp.concatenate([resampled_trace, weighted[:, None, :]], axis=1)
    return new_trace

if __name__ == "__main__":
    import jax
    _d = setup_inputs()
    print(jax.jit(kernel)(*tuple(_d.values())))

</pallas_src>

<mosaic_0001>
#map = affine_map<(d0, d1) -> (0)>
#map1 = affine_map<(d0, d1) -> (0, 0)>
module attributes {stable_mosaic.version = 14 : i64} {
  func.func @k(%arg0: i32, %arg1: i32, %arg2: memref<4096xi32, #tpu.memory_space<hbm>>, %arg3: memref<4096x3328xf32, #tpu.memory_space<hbm>>, %arg4: memref<4096x3328xf32, #tpu.memory_space<hbm>>, %arg5: memref<128xi32, #tpu.memory_space<vmem>>, %arg6: memref<16x3328xf32, #tpu.memory_space<vmem>>, %arg7: memref<!tpu.dma_semaphore, #tpu.memory_space<semaphore_mem>>) attributes {dimension_semantics = [#tpu.dimension_semantics<core_parallel>, #tpu.dimension_semantics<subcore_parallel>], iteration_bounds = array<i64: 2, 16>, scalar_prefetch = 0 : i64, scratch_operands = 3 : i64, tpu.core_type = #tpu.core_type<sc_vector_subcore>, window_params = [{transform_indices = #map}, {transform_indices = #map1}, {transform_indices = #map1}]} {
    %mul3A = arith.constant 2 : i32
    %mul3A_0 = arith.muli %arg1, %mul3A : i32
    %add3A = arith.addi %mul3A_0, %arg0 : i32
    %mul3A_1 = arith.constant 128 : i32
    %mul3A_2 = arith.muli %add3A, %mul3A_1 : i32
    "tpu.region"() ({
      %run_scoped3A = tpu.sem_alloc : memref<!tpu.dma_semaphore, #tpu.memory_space<semaphore_mem>>
      %dma_start3A_97 = tpu.memref_slice %arg2[%mul3A_2] : memref<4096xi32, #tpu.memory_space<hbm>> -> memref<128xi32, #tpu.memory_space<hbm>>
      %dma_start3A_98 = tpu.memref_slice %arg2[%mul3A_2] : memref<4096xi32, #tpu.memory_space<hbm>> -> memref<128xi32, #tpu.memory_space<hbm>>
      tpu.enqueue_dma source(%dma_start3A_98 : memref<128xi32, #tpu.memory_space<hbm>>) target(%arg5 : memref<128xi32, #tpu.memory_space<vmem>>) target_semaphore(%run_scoped3A : memref<!tpu.dma_semaphore, #tpu.memory_space<semaphore_mem>>)
      %dma_wait3A_99 = tpu.memref_slice %arg2[%mul3A_2] : memref<4096xi32, #tpu.memory_space<hbm>> -> memref<128xi32, #tpu.memory_space<hbm>>
      %dma_wait3A_100 = tpu.memref_slice %arg2[%mul3A_2] : memref<4096xi32, #tpu.memory_space<hbm>> -> memref<128xi32, #tpu.memory_space<hbm>>
      tpu.wait_dma2 semaphore(%run_scoped3A : memref<!tpu.dma_semaphore, #tpu.memory_space<semaphore_mem>>) src(%dma_wait3A_100 : memref<128xi32, #tpu.memory_space<hbm>>) dst(%arg5 : memref<128xi32, #tpu.memory_space<vmem>>)
      tpu.yield
    }) : () -> ()
    %dma_start3A = arith.constant 0 : i32
    %dma_start3A_3 = tpu.memref_slice %arg5[%dma_start3A] : memref<128xi32, #tpu.memory_space<vmem>> -> memref<16xi32, #tpu.memory_space<vmem>>
    %dma_start3A_4 = arith.constant 0 : i32
    %dma_start3A_5 = arith.constant 0 : i32
    %dma_start3A_6 = tpu.memref_slice %arg3[%dma_start3A_4, %dma_start3A_5] : memref<4096x3328xf32, #tpu.memory_space<hbm>> -> memref<4096x3328xf32, #tpu.memory_space<hbm>>
    tpu.enqueue_indirect_dma source(%dma_start3A_6 : memref<4096x3328xf32, #tpu.memory_space<hbm>>) target(%arg6 : memref<16x3328xf32, #tpu.memory_space<vmem>>) offsets(%dma_start3A_3 : memref<16xi32, #tpu.memory_space<vmem>>) semaphore(%arg7 : memref<!tpu.dma_semaphore, #tpu.memory_space<semaphore_mem>>)
    %dma_wait3A = arith.constant 0 : i32
    %dma_wait3A_7 = tpu.memref_slice %arg5[%dma_wait3A] : memref<128xi32, #tpu.memory_space<vmem>> -> memref<16xi32, #tpu.memory_space<vmem>>
    %dma_wait3A_8 = arith.constant 0 : i32
    %dma_wait3A_9 = arith.constant 0 : i32
    %dma_wait3A_10 = tpu.memref_slice %arg3[%dma_wait3A_8, %dma_wait3A_9] : memref<4096x3328xf32, #tpu.memory_space<hbm>> -> memref<4096x3328xf32, #tpu.memory_space<hbm>>
    tpu.wait_indirect_dma semaphore(%arg7 : memref<!tpu.dma_semaphore, #tpu.memory_space<semaphore_mem>>) src(%dma_wait3A_10 : memref<4096x3328xf32, #tpu.memory_space<hbm>>) dst(%arg6 : memref<16x3328xf32, #tpu.memory_space<vmem>>)
    %add3A_11 = arith.constant 0 : i32
    %add3A_12 = arith.addi %mul3A_2, %add3A_11 : i32
    "tpu.region"() ({
      %run_scoped3A = tpu.sem_alloc : memref<!tpu.dma_semaphore, #tpu.memory_space<semaphore_mem>>
      %dma_start3A_97 = arith.constant 0 : i32
      %dma_start3A_98 = tpu.memref_slice %arg4[%add3A_12, %dma_start3A_97] : memref<4096x3328xf32, #tpu.memory_space<hbm>> -> memref<16x3328xf32, #tpu.memory_space<hbm>>
      %dma_start3A_99 = arith.constant 0 : i32
      %dma_start3A_100 = tpu.memref_slice %arg4[%add3A_12, %dma_start3A_99] : memref<4096x3328xf32, #tpu.memory_space<hbm>> -> memref<16x3328xf32, #tpu.memory_space<hbm>>
      tpu.enqueue_dma source(%arg6 : memref<16x3328xf32, #tpu.memory_space<vmem>>) target(%dma_start3A_100 : memref<16x3328xf32, #tpu.memory_space<hbm>>) target_semaphore(%run_scoped3A : memref<!tpu.dma_semaphore, #tpu.memory_space<semaphore_mem>>)
      %dma_wait3A_101 = arith.constant 0 : i32
      %dma_wait3A_102 = tpu.memref_slice %arg4[%add3A_12, %dma_wait3A_101] : memref<4096x3328xf32, #tpu.memory_space<hbm>> -> memref<16x3328xf32, #tpu.memory_space<hbm>>
      %dma_wait3A_103 = arith.constant 0 : i32
      %dma_wait3A_104 = tpu.memref_slice %arg4[%add3A_12, %dma_wait3A_103] : memref<4096x3328xf32, #tpu.memory_space<hbm>> -> memref<16x3328xf32, #tpu.memory_space<hbm>>
      tpu.wait_dma2 semaphore(%run_scoped3A : memref<!tpu.dma_semaphore, #tpu.memory_space<semaphore_mem>>) src(%arg6 : memref<16x3328xf32, #tpu.memory_space<vmem>>) dst(%dma_wait3A_104 : memref<16x3328xf32, #tpu.memory_space<hbm>>)
      tpu.yield
    }) : () -> ()
    %dma_start3A_13 = arith.constant 16 : i32
    %dma_start3A_14 = tpu.memref_slice %arg5[%dma_start3A_13] : memref<128xi32, #tpu.memory_space<vmem>> -> memref<16xi32, #tpu.memory_space<vmem>>
    %dma_start3A_15 = arith.constant 0 : i32
    %dma_start3A_16 = arith.constant 0 : i32
    %dma_start3A_17 = tpu.memref_slice %arg3[%dma_start3A_15, %dma_start3A_16] : memref<4096x3328xf32, #tpu.memory_space<hbm>> -> memref<4096x3328xf32, #tpu.memory_space<hbm>>
    tpu.enqueue_indirect_dma source(%dma_start3A_17 : memref<4096x3328xf32, #tpu.memory_space<hbm>>) target(%arg6 : memref<16x3328xf32, #tpu.memory_space<vmem>>) offsets(%dma_start3A_14 : memref<16xi32, #tpu.memory_space<vmem>>) semaphore(%arg7 : memref<!tpu.dma_semaphore, #tpu.memory_space<semaphore_mem>>)
    %dma_wait3A_18 = arith.constant 16 : i32
    %dma_wait3A_19 = tpu.memref_slice %arg5[%dma_wait3A_18] : memref<128xi32, #tpu.memory_space<vmem>> -> memref<16xi32, #tpu.memory_space<vmem>>
    %dma_wait3A_20 = arith.constant 0 : i32
    %dma_wait3A_21 = arith.constant 0 : i32
    %dma_wait3A_22 = tpu.memref_slice %arg3[%dma_wait3A_20, %dma_wait3A_21] : memref<4096x3328xf32, #tpu.memory_space<hbm>> -> memref<4096x3328xf32, #tpu.memory_space<hbm>>
    tpu.wait_indirect_dma semaphore(%arg7 : memref<!tpu.dma_semaphore, #tpu.memory_space<semaphore_mem>>) src(%dma_wait3A_22 : memref<4096x3328xf32, #tpu.memory_space<hbm>>) dst(%arg6 : memref<16x3328xf32, #tpu.memory_space<vmem>>)
    %add3A_23 = arith.constant 16 : i32
    %add3A_24 = arith.addi %mul3A_2, %add3A_23 : i32
    "tpu.region"() ({
      %run_scoped3A = tpu.sem_alloc : memref<!tpu.dma_semaphore, #tpu.memory_space<semaphore_mem>>
      %dma_start3A_97 = arith.constant 0 : i32
      %dma_start3A_98 = tpu.memref_slice %arg4[%add3A_24, %dma_start3A_97] : memref<4096x3328xf32, #tpu.memory_space<hbm>> -> memref<16x3328xf32, #tpu.memory_space<hbm>>
      %dma_start3A_99 = arith.constant 0 : i32
      %dma_start3A_100 = tpu.memref_slice %arg4[%add3A_24, %dma_start3A_99] : memref<4096x3328xf32, #tpu.memory_space<hbm>> -> memref<16x3328xf32, #tpu.memory_space<hbm>>
      tpu.enqueue_dma source(%arg6 : memref<16x3328xf32, #tpu.memory_space<vmem>>) target(%dma_start3A_100 : memref<16x3328xf32, #tpu.memory_space<hbm>>) target_semaphore(%run_scoped3A : memref<!tpu.dma_semaphore, #tpu.memory_space<semaphore_mem>>)
      %dma_wait3A_101 = arith.constant 0 : i32
      %dma_wait3A_102 = tpu.memref_slice %arg4[%add3A_24, %dma_wait3A_101] : memref<4096x3328xf32, #tpu.memory_space<hbm>> -> memref<16x3328xf32, #tpu.memory_space<hbm>>
      %dma_wait3A_103 = arith.constant 0 : i32
      %dma_wait3A_104 = tpu.memref_slice %arg4[%add3A_24, %dma_wait3A_103] : memref<4096x3328xf32, #tpu.memory_space<hbm>> -> memref<16x3328xf32, #tpu.memory_space<hbm>>
      tpu.wait_dma2 semaphore(%run_scoped3A : memref<!tpu.dma_semaphore, #tpu.memory_space<semaphore_mem>>) src(%arg6 : memref<16x3328xf32, #tpu.memory_space<vmem>>) dst(%dma_wait3A_104 : memref<16x3328xf32, #tpu.memory_space<hbm>>)
      tpu.yield
    }) : () -> ()
    %dma_start3A_25 = arith.constant 32 : i32
    %dma_start3A_26 = tpu.memref_slice %arg5[%dma_start3A_25] : memref<128xi32, #tpu.memory_space<vmem>> -> memref<16xi32, #tpu.memory_space<vmem>>
    %dma_start3A_27 = arith.constant 0 : i32
    %dma_start3A_28 = arith.constant 0 : i32
    %dma_start3A_29 = tpu.memref_slice %arg3[%dma_start3A_27, %dma_start3A_28] : memref<4096x3328xf32, #tpu.memory_space<hbm>> -> memref<4096x3328xf32, #tpu.memory_space<hbm>>
    tpu.enqueue_indirect_dma source(%dma_start3A_29 : memref<4096x3328xf32, #tpu.memory_space<hbm>>) target(%arg6 : memref<16x3328xf32, #tpu.memory_space<vmem>>) offsets(%dma_start3A_26 : memref<16xi32, #tpu.memory_space<vmem>>) semaphore(%arg7 : memref<!tpu.dma_semaphore, #tpu.memory_space<semaphore_mem>>)
    %dma_wait3A_30 = arith.constant 32 : i32
    %dma_wait3A_31 = tpu.memref_slice %arg5[%dma_wait3A_30] : memref<128xi32, #tpu.memory_space<vmem>> -> memref<16xi32, #tpu.memory_space<vmem>>
    %dma_wait3A_32 = arith.constant 0 : i32
    %dma_wait3A_33 = arith.constant 0 : i32
    %dma_wait3A_34 = tpu.memref_slice %arg3[%dma_wait3A_32, %dma_wait3A_33] : memref<4096x3328xf32, #tpu.memory_space<hbm>> -> memref<4096x3328xf32, #tpu.memory_space<hbm>>
    tpu.wait_indirect_dma semaphore(%arg7 : memref<!tpu.dma_semaphore, #tpu.memory_space<semaphore_mem>>) src(%dma_wait3A_34 : memref<4096x3328xf32, #tpu.memory_space<hbm>>) dst(%arg6 : memref<16x3328xf32, #tpu.memory_space<vmem>>)
    %add3A_35 = arith.constant 32 : i32
    %add3A_36 = arith.addi %mul3A_2, %add3A_35 : i32
    "tpu.region"() ({
      %run_scoped3A = tpu.sem_alloc : memref<!tpu.dma_semaphore, #tpu.memory_space<semaphore_mem>>
      %dma_start3A_97 = arith.constant 0 : i32
      %dma_start3A_98 = tpu.memref_slice %arg4[%add3A_36, %dma_start3A_97] : memref<4096x3328xf32, #tpu.memory_space<hbm>> -> memref<16x3328xf32, #tpu.memory_space<hbm>>
      %dma_start3A_99 = arith.constant 0 : i32
      %dma_start3A_100 = tpu.memref_slice %arg4[%add3A_36, %dma_start3A_99] : memref<4096x3328xf32, #tpu.memory_space<hbm>> -> memref<16x3328xf32, #tpu.memory_space<hbm>>
      tpu.enqueue_dma source(%arg6 : memref<16x3328xf32, #tpu.memory_space<vmem>>) target(%dma_start3A_100 : memref<16x3328xf32, #tpu.memory_space<hbm>>) target_semaphore(%run_scoped3A : memref<!tpu.dma_semaphore, #tpu.memory_space<semaphore_mem>>)
      %dma_wait3A_101 = arith.constant 0 : i32
      %dma_wait3A_102 = tpu.memref_slice %arg4[%add3A_36, %dma_wait3A_101] : memref<4096x3328xf32, #tpu.memory_space<hbm>> -> memref<16x3328xf32, #tpu.memory_space<hbm>>
      %dma_wait3A_103 = arith.constant 0 : i32
      %dma_wait3A_104 = tpu.memref_slice %arg4[%add3A_36, %dma_wait3A_103] : memref<4096x3328xf32, #tpu.memory_space<hbm>> -> memref<16x3328xf32, #tpu.memory_space<hbm>>
      tpu.wait_dma2 semaphore(%run_scoped3A : memref<!tpu.dma_semaphore, #tpu.memory_space<semaphore_mem>>) src(%arg6 : memref<16x3328xf32, #tpu.memory_space<vmem>>) dst(%dma_wait3A_104 : memref<16x3328xf32, #tpu.memory_space<hbm>>)
      tpu.yield
    }) : () -> ()
    %dma_start3A_37 = arith.constant 48 : i32
    %dma_start3A_38 = tpu.memref_slice %arg5[%dma_start3A_37] : memref<128xi32, #tpu.memory_space<vmem>> -> memref<16xi32, #tpu.memory_space<vmem>>
    %dma_start3A_39 = arith.constant 0 : i32
    %dma_start3A_40 = arith.constant 0 : i32
    %dma_start3A_41 = tpu.memref_slice %arg3[%dma_start3A_39, %dma_start3A_40] : memref<4096x3328xf32, #tpu.memory_space<hbm>> -> memref<4096x3328xf32, #tpu.memory_space<hbm>>
    tpu.enqueue_indirect_dma source(%dma_start3A_41 : memref<4096x3328xf32, #tpu.memory_space<hbm>>) target(%arg6 : memref<16x3328xf32, #tpu.memory_space<vmem>>) offsets(%dma_start3A_38 : memref<16xi32, #tpu.memory_space<vmem>>) semaphore(%arg7 : memref<!tpu.dma_semaphore, #tpu.memory_space<semaphore_mem>>)
    %dma_wait3A_42 = arith.constant 48 : i32
    %dma_wait3A_43 = tpu.memref_slice %arg5[%dma_wait3A_42] : memref<128xi32, #tpu.memory_space<vmem>> -> memref<16xi32, #tpu.memory_space<vmem>>
    %dma_wait3A_44 = arith.constant 0 : i32
    %dma_wait3A_45 = arith.constant 0 : i32
    %dma_wait3A_46 = tpu.memref_slice %arg3[%dma_wait3A_44, %dma_wait3A_45] : memref<4096x3328xf32, #tpu.memory_space<hbm>> -> memref<4096x3328xf32, #tpu.memory_space<hbm>>
    tpu.wait_indirect_dma semaphore(%arg7 : memref<!tpu.dma_semaphore, #tpu.memory_space<semaphore_mem>>) src(%dma_wait3A_46 : memref<4096x3328xf32, #tpu.memory_space<hbm>>) dst(%arg6 : memref<16x3328xf32, #tpu.memory_space<vmem>>)
    %add3A_47 = arith.constant 48 : i32
    %add3A_48 = arith.addi %mul3A_2, %add3A_47 : i32
    "tpu.region"() ({
      %run_scoped3A = tpu.sem_alloc : memref<!tpu.dma_semaphore, #tpu.memory_space<semaphore_mem>>
      %dma_start3A_97 = arith.constant 0 : i32
      %dma_start3A_98 = tpu.memref_slice %arg4[%add3A_48, %dma_start3A_97] : memref<4096x3328xf32, #tpu.memory_space<hbm>> -> memref<16x3328xf32, #tpu.memory_space<hbm>>
      %dma_start3A_99 = arith.constant 0 : i32
      %dma_start3A_100 = tpu.memref_slice %arg4[%add3A_48, %dma_start3A_99] : memref<4096x3328xf32, #tpu.memory_space<hbm>> -> memref<16x3328xf32, #tpu.memory_space<hbm>>
      tpu.enqueue_dma source(%arg6 : memref<16x3328xf32, #tpu.memory_space<vmem>>) target(%dma_start3A_100 : memref<16x3328xf32, #tpu.memory_space<hbm>>) target_semaphore(%run_scoped3A : memref<!tpu.dma_semaphore, #tpu.memory_space<semaphore_mem>>)
      %dma_wait3A_101 = arith.constant 0 : i32
      %dma_wait3A_102 = tpu.memref_slice %arg4[%add3A_48, %dma_wait3A_101] : memref<4096x3328xf32, #tpu.memory_space<hbm>> -> memref<16x3328xf32, #tpu.memory_space<hbm>>
      %dma_wait3A_103 = arith.constant 0 : i32
      %dma_wait3A_104 = tpu.memref_slice %arg4[%add3A_48, %dma_wait3A_103] : memref<4096x3328xf32, #tpu.memory_space<hbm>> -> memref<16x3328xf32, #tpu.memory_space<hbm>>
      tpu.wait_dma2 semaphore(%run_scoped3A : memref<!tpu.dma_semaphore, #tpu.memory_space<semaphore_mem>>) src(%arg6 : memref<16x3328xf32, #tpu.memory_space<vmem>>) dst(%dma_wait3A_104 : memref<16x3328xf32, #tpu.memory_space<hbm>>)
      tpu.yield
    }) : () -> ()
    %dma_start3A_49 = arith.constant 64 : i32
    %dma_start3A_50 = tpu.memref_slice %arg5[%dma_start3A_49] : memref<128xi32, #tpu.memory_space<vmem>> -> memref<16xi32, #tpu.memory_space<vmem>>
    %dma_start3A_51 = arith.constant 0 : i32
    %dma_start3A_52 = arith.constant 0 : i32
    %dma_start3A_53 = tpu.memref_slice %arg3[%dma_start3A_51, %dma_start3A_52] : memref<4096x3328xf32, #tpu.memory_space<hbm>> -> memref<4096x3328xf32, #tpu.memory_space<hbm>>
    tpu.enqueue_indirect_dma source(%dma_start3A_53 : memref<4096x3328xf32, #tpu.memory_space<hbm>>) target(%arg6 : memref<16x3328xf32, #tpu.memory_space<vmem>>) offsets(%dma_start3A_50 : memref<16xi32, #tpu.memory_space<vmem>>) semaphore(%arg7 : memref<!tpu.dma_semaphore, #tpu.memory_space<semaphore_mem>>)
    %dma_wait3A_54 = arith.constant 64 : i32
    %dma_wait3A_55 = tpu.memref_slice %arg5[%dma_wait3A_54] : memref<128xi32, #tpu.memory_space<vmem>> -> memref<16xi32, #tpu.memory_space<vmem>>
    %dma_wait3A_56 = arith.constant 0 : i32
    %dma_wait3A_57 = arith.constant 0 : i32
    %dma_wait3A_58 = tpu.memref_slice %arg3[%dma_wait3A_56, %dma_wait3A_57] : memref<4096x3328xf32, #tpu.memory_space<hbm>> -> memref<4096x3328xf32, #tpu.memory_space<hbm>>
    tpu.wait_indirect_dma semaphore(%arg7 : memref<!tpu.dma_semaphore, #tpu.memory_space<semaphore_mem>>) src(%dma_wait3A_58 : memref<4096x3328xf32, #tpu.memory_space<hbm>>) dst(%arg6 : memref<16x3328xf32, #tpu.memory_space<vmem>>)
    %add3A_59 = arith.constant 64 : i32
    %add3A_60 = arith.addi %mul3A_2, %add3A_59 : i32
    "tpu.region"() ({
      %run_scoped3A = tpu.sem_alloc : memref<!tpu.dma_semaphore, #tpu.memory_space<semaphore_mem>>
      %dma_start3A_97 = arith.constant 0 : i32
      %dma_start3A_98 = tpu.memref_slice %arg4[%add3A_60, %dma_start3A_97] : memref<4096x3328xf32, #tpu.memory_space<hbm>> -> memref<16x3328xf32, #tpu.memory_space<hbm>>
      %dma_start3A_99 = arith.constant 0 : i32
      %dma_start3A_100 = tpu.memref_slice %arg4[%add3A_60, %dma_start3A_99] : memref<4096x3328xf32, #tpu.memory_space<hbm>> -> memref<16x3328xf32, #tpu.memory_space<hbm>>
      tpu.enqueue_dma source(%arg6 : memref<16x3328xf32, #tpu.memory_space<vmem>>) target(%dma_start3A_100 : memref<16x3328xf32, #tpu.memory_space<hbm>>) target_semaphore(%run_scoped3A : memref<!tpu.dma_semaphore, #tpu.memory_space<semaphore_mem>>)
      %dma_wait3A_101 = arith.constant 0 : i32
      %dma_wait3A_102 = tpu.memref_slice %arg4[%add3A_60, %dma_wait3A_101] : memref<4096x3328xf32, #tpu.memory_space<hbm>> -> memref<16x3328xf32, #tpu.memory_space<hbm>>
      %dma_wait3A_103 = arith.constant 0 : i32
      %dma_wait3A_104 = tpu.memref_slice %arg4[%add3A_60, %dma_wait3A_103] : memref<4096x3328xf32, #tpu.memory_space<hbm>> -> memref<16x3328xf32, #tpu.memory_space<hbm>>
      tpu.wait_dma2 semaphore(%run_scoped3A : memref<!tpu.dma_semaphore, #tpu.memory_space<semaphore_mem>>) src(%arg6 : memref<16x3328xf32, #tpu.memory_space<vmem>>) dst(%dma_wait3A_104 : memref<16x3328xf32, #tpu.memory_space<hbm>>)
      tpu.yield
    }) : () -> ()
    %dma_start3A_61 = arith.constant 80 : i32
    %dma_start3A_62 = tpu.memref_slice %arg5[%dma_start3A_61] : memref<128xi32, #tpu.memory_space<vmem>> -> memref<16xi32, #tpu.memory_space<vmem>>
    %dma_start3A_63 = arith.constant 0 : i32
    %dma_start3A_64 = arith.constant 0 : i32
    %dma_start3A_65 = tpu.memref_slice %arg3[%dma_start3A_63, %dma_start3A_64] : memref<4096x3328xf32, #tpu.memory_space<hbm>> -> memref<4096x3328xf32, #tpu.memory_space<hbm>>
    tpu.enqueue_indirect_dma source(%dma_start3A_65 : memref<4096x3328xf32, #tpu.memory_space<hbm>>) target(%arg6 : memref<16x3328xf32, #tpu.memory_space<vmem>>) offsets(%dma_start3A_62 : memref<16xi32, #tpu.memory_space<vmem>>) semaphore(%arg7 : memref<!tpu.dma_semaphore, #tpu.memory_space<semaphore_mem>>)
    %dma_wait3A_66 = arith.constant 80 : i32
    %dma_wait3A_67 = tpu.memref_slice %arg5[%dma_wait3A_66] : memref<128xi32, #tpu.memory_space<vmem>> -> memref<16xi32, #tpu.memory_space<vmem>>
    %dma_wait3A_68 = arith.constant 0 : i32
    %dma_wait3A_69 = arith.constant 0 : i32
    %dma_wait3A_70 = tpu.memref_slice %arg3[%dma_wait3A_68, %dma_wait3A_69] : memref<4096x3328xf32, #tpu.memory_space<hbm>> -> memref<4096x3328xf32, #tpu.memory_space<hbm>>
    tpu.wait_indirect_dma semaphore(%arg7 : memref<!tpu.dma_semaphore, #tpu.memory_space<semaphore_mem>>) src(%dma_wait3A_70 : memref<4096x3328xf32, #tpu.memory_space<hbm>>) dst(%arg6 : memref<16x3328xf32, #tpu.memory_space<vmem>>)
    %add3A_71 = arith.constant 80 : i32
    %add3A_72 = arith.addi %mul3A_2, %add3A_71 : i32
    "tpu.region"() ({
      %run_scoped3A = tpu.sem_alloc : memref<!tpu.dma_semaphore, #tpu.memory_space<semaphore_mem>>
      %dma_start3A_97 = arith.constant 0 : i32
      %dma_start3A_98 = tpu.memref_slice %arg4[%add3A_72, %dma_start3A_97] : memref<4096x3328xf32, #tpu.memory_space<hbm>> -> memref<16x3328xf32, #tpu.memory_space<hbm>>
      %dma_start3A_99 = arith.constant 0 : i32
      %dma_start3A_100 = tpu.memref_slice %arg4[%add3A_72, %dma_start3A_99] : memref<4096x3328xf32, #tpu.memory_space<hbm>> -> memref<16x3328xf32, #tpu.memory_space<hbm>>
      tpu.enqueue_dma source(%arg6 : memref<16x3328xf32, #tpu.memory_space<vmem>>) target(%dma_start3A_100 : memref<16x3328xf32, #tpu.memory_space<hbm>>) target_semaphore(%run_scoped3A : memref<!tpu.dma_semaphore, #tpu.memory_space<semaphore_mem>>)
      %dma_wait3A_101 = arith.constant 0 : i32
      %dma_wait3A_102 = tpu.memref_slice %arg4[%add3A_72, %dma_wait3A_101] : memref<4096x3328xf32, #tpu.memory_space<hbm>> -> memref<16x3328xf32, #tpu.memory_space<hbm>>
      %dma_wait3A_103 = arith.constant 0 : i32
      %dma_wait3A_104 = tpu.memref_slice %arg4[%add3A_72, %dma_wait3A_103] : memref<4096x3328xf32, #tpu.memory_space<hbm>> -> memref<16x3328xf32, #tpu.memory_space<hbm>>
      tpu.wait_dma2 semaphore(%run_scoped3A : memref<!tpu.dma_semaphore, #tpu.memory_space<semaphore_mem>>) src(%arg6 : memref<16x3328xf32, #tpu.memory_space<vmem>>) dst(%dma_wait3A_104 : memref<16x3328xf32, #tpu.memory_space<hbm>>)
      tpu.yield
    }) : () -> ()
    %dma_start3A_73 = arith.constant 96 : i32
    %dma_start3A_74 = tpu.memref_slice %arg5[%dma_start3A_73] : memref<128xi32, #tpu.memory_space<vmem>> -> memref<16xi32, #tpu.memory_space<vmem>>
    %dma_start3A_75 = arith.constant 0 : i32
    %dma_start3A_76 = arith.constant 0 : i32
    %dma_start3A_77 = tpu.memref_slice %arg3[%dma_start3A_75, %dma_start3A_76] : memref<4096x3328xf32, #tpu.memory_space<hbm>> -> memref<4096x3328xf32, #tpu.memory_space<hbm>>
    tpu.enqueue_indirect_dma source(%dma_start3A_77 : memref<4096x3328xf32, #tpu.memory_space<hbm>>) target(%arg6 : memref<16x3328xf32, #tpu.memory_space<vmem>>) offsets(%dma_start3A_74 : memref<16xi32, #tpu.memory_space<vmem>>) semaphore(%arg7 : memref<!tpu.dma_semaphore, #tpu.memory_space<semaphore_mem>>)
    %dma_wait3A_78 = arith.constant 96 : i32
    %dma_wait3A_79 = tpu.memref_slice %arg5[%dma_wait3A_78] : memref<128xi32, #tpu.memory_space<vmem>> -> memref<16xi32, #tpu.memory_space<vmem>>
    %dma_wait3A_80 = arith.constant 0 : i32
    %dma_wait3A_81 = arith.constant 0 : i32
    %dma_wait3A_82 = tpu.memref_slice %arg3[%dma_wait3A_80, %dma_wait3A_81] : memref<4096x3328xf32, #tpu.memory_space<hbm>> -> memref<4096x3328xf32, #tpu.memory_space<hbm>>
    tpu.wait_indirect_dma semaphore(%arg7 : memref<!tpu.dma_semaphore, #tpu.memory_space<semaphore_mem>>) src(%dma_wait3A_82 : memref<4096x3328xf32, #tpu.memory_space<hbm>>) dst(%arg6 : memref<16x3328xf32, #tpu.memory_space<vmem>>)
    %add3A_83 = arith.constant 96 : i32
    %add3A_84 = arith.addi %mul3A_2, %add3A_83 : i32
    "tpu.region"() ({
      %run_scoped3A = tpu.sem_alloc : memref<!tpu.dma_semaphore, #tpu.memory_space<semaphore_mem>>
      %dma_start3A_97 = arith.constant 0 : i32
      %dma_start3A_98 = tpu.memref_slice %arg4[%add3A_84, %dma_start3A_97] : memref<4096x3328xf32, #tpu.memory_space<hbm>> -> memref<16x3328xf32, #tpu.memory_space<hbm>>
      %dma_start3A_99 = arith.constant 0 : i32
      %dma_start3A_100 = tpu.memref_slice %arg4[%add3A_84, %dma_start3A_99] : memref<4096x3328xf32, #tpu.memory_space<hbm>> -> memref<16x3328xf32, #tpu.memory_space<hbm>>
      tpu.enqueue_dma source(%arg6 : memref<16x3328xf32, #tpu.memory_space<vmem>>) target(%dma_start3A_100 : memref<16x3328xf32, #tpu.memory_space<hbm>>) target_semaphore(%run_scoped3A : memref<!tpu.dma_semaphore, #tpu.memory_space<semaphore_mem>>)
      %dma_wait3A_101 = arith.constant 0 : i32
      %dma_wait3A_102 = tpu.memref_slice %arg4[%add3A_84, %dma_wait3A_101] : memref<4096x3328xf32, #tpu.memory_space<hbm>> -> memref<16x3328xf32, #tpu.memory_space<hbm>>
      %dma_wait3A_103 = arith.constant 0 : i32
      %dma_wait3A_104 = tpu.memref_slice %arg4[%add3A_84, %dma_wait3A_103] : memref<4096x3328xf32, #tpu.memory_space<hbm>> -> memref<16x3328xf32, #tpu.memory_space<hbm>>
      tpu.wait_dma2 semaphore(%run_scoped3A : memref<!tpu.dma_semaphore, #tpu.memory_space<semaphore_mem>>) src(%arg6 : memref<16x3328xf32, #tpu.memory_space<vmem>>) dst(%dma_wait3A_104 : memref<16x3328xf32, #tpu.memory_space<hbm>>)
      tpu.yield
    }) : () -> ()
    %dma_start3A_85 = arith.constant 112 : i32
    %dma_start3A_86 = tpu.memref_slice %arg5[%dma_start3A_85] : memref<128xi32, #tpu.memory_space<vmem>> -> memref<16xi32, #tpu.memory_space<vmem>>
    %dma_start3A_87 = arith.constant 0 : i32
    %dma_start3A_88 = arith.constant 0 : i32
    %dma_start3A_89 = tpu.memref_slice %arg3[%dma_start3A_87, %dma_start3A_88] : memref<4096x3328xf32, #tpu.memory_space<hbm>> -> memref<4096x3328xf32, #tpu.memory_space<hbm>>
    tpu.enqueue_indirect_dma source(%dma_start3A_89 : memref<4096x3328xf32, #tpu.memory_space<hbm>>) target(%arg6 : memref<16x3328xf32, #tpu.memory_space<vmem>>) offsets(%dma_start3A_86 : memref<16xi32, #tpu.memory_space<vmem>>) semaphore(%arg7 : memref<!tpu.dma_semaphore, #tpu.memory_space<semaphore_mem>>)
    %dma_wait3A_90 = arith.constant 112 : i32
    %dma_wait3A_91 = tpu.memref_slice %arg5[%dma_wait3A_90] : memref<128xi32, #tpu.memory_space<vmem>> -> memref<16xi32, #tpu.memory_space<vmem>>
    %dma_wait3A_92 = arith.constant 0 : i32
    %dma_wait3A_93 = arith.constant 0 : i32
    %dma_wait3A_94 = tpu.memref_slice %arg3[%dma_wait3A_92, %dma_wait3A_93] : memref<4096x3328xf32, #tpu.memory_space<hbm>> -> memref<4096x3328xf32, #tpu.memory_space<hbm>>
    tpu.wait_indirect_dma semaphore(%arg7 : memref<!tpu.dma_semaphore, #tpu.memory_space<semaphore_mem>>) src(%dma_wait3A_94 : memref<4096x3328xf32, #tpu.memory_space<hbm>>) dst(%arg6 : memref<16x3328xf32, #tpu.memory_space<vmem>>)
    %add3A_95 = arith.constant 112 : i32
    %add3A_96 = arith.addi %mul3A_2, %add3A_95 : i32
    "tpu.region"() ({
      %run_scoped3A = tpu.sem_alloc : memref<!tpu.dma_semaphore, #tpu.memory_space<semaphore_mem>>
      %dma_start3A_97 = arith.constant 0 : i32
      %dma_start3A_98 = tpu.memref_slice %arg4[%add3A_96, %dma_start3A_97] : memref<4096x3328xf32, #tpu.memory_space<hbm>> -> memref<16x3328xf32, #tpu.memory_space<hbm>>
      %dma_start3A_99 = arith.constant 0 : i32
      %dma_start3A_100 = tpu.memref_slice %arg4[%add3A_96, %dma_start3A_99] : memref<4096x3328xf32, #tpu.memory_space<hbm>> -> memref<16x3328xf32, #tpu.memory_space<hbm>>
      tpu.enqueue_dma source(%arg6 : memref<16x3328xf32, #tpu.memory_space<vmem>>) target(%dma_start3A_100 : memref<16x3328xf32, #tpu.memory_space<hbm>>) target_semaphore(%run_scoped3A : memref<!tpu.dma_semaphore, #tpu.memory_space<semaphore_mem>>)
      %dma_wait3A_101 = arith.constant 0 : i32
      %dma_wait3A_102 = tpu.memref_slice %arg4[%add3A_96, %dma_wait3A_101] : memref<4096x3328xf32, #tpu.memory_space<hbm>> -> memref<16x3328xf32, #tpu.memory_space<hbm>>
      %dma_wait3A_103 = arith.constant 0 : i32
      %dma_wait3A_104 = tpu.memref_slice %arg4[%add3A_96, %dma_wait3A_103] : memref<4096x3328xf32, #tpu.memory_space<hbm>> -> memref<16x3328xf32, #tpu.memory_space<hbm>>
      tpu.wait_dma2 semaphore(%run_scoped3A : memref<!tpu.dma_semaphore, #tpu.memory_space<semaphore_mem>>) src(%arg6 : memref<16x3328xf32, #tpu.memory_space<vmem>>) dst(%dma_wait3A_104 : memref<16x3328xf32, #tpu.memory_space<hbm>>)
      tpu.yield
    }) : () -> ()
    return
  }
}

module attributes {stable_mosaic.version = 14 : i64} {
  func.func @_forward_body(%arg0: i32, %arg1: memref<512x3264xf32, #tpu.memory_space<vmem>>, %arg2: memref<1x128xf32, #tpu.memory_space<vmem>>, %arg3: memref<3264x512xf32, #tpu.memory_space<vmem>>, %arg4: memref<512xf32, #tpu.memory_space<vmem>>, %arg5: memref<512x64xf32, #tpu.memory_space<vmem>>, %arg6: memref<64xf32, #tpu.memory_space<vmem>>, %arg7: memref<64x256xf32, #tpu.memory_space<vmem>>, %arg8: memref<256xf32, #tpu.memory_space<vmem>>, %arg9: memref<256x1xf32, #tpu.memory_space<vmem>>, %arg10: memref<1xf32, #tpu.memory_space<vmem>>, %arg11: memref<64x256xf32, #tpu.memory_space<vmem>>, %arg12: memref<256xf32, #tpu.memory_space<vmem>>, %arg13: memref<256x128xf32, #tpu.memory_space<vmem>>, %arg14: memref<128xf32, #tpu.memory_space<vmem>>, %arg15: memref<512x3328xf32, #tpu.memory_space<vmem>>, %arg16: memref<512x128xf32, #tpu.memory_space<vmem>>, %arg17: memref<512x1xf32, #tpu.memory_space<vmem>>) attributes {dimension_semantics = [#tpu.dimension_semantics<arbitrary>], iteration_bounds = array<i64: 8>, scalar_prefetch = 0 : i64, scratch_operands = 0 : i64, tpu.core_type = #tpu.core_type<tc>, window_params = [{transform_indices = @transform_0, window_bounds = array<i64: 512, 3264>}, {pipeline_mode = #tpu.pipeline_mode<synchronous>, transform_indices = @transform_1, window_bounds = array<i64: 1, 128>}, {pipeline_mode = #tpu.pipeline_mode<synchronous>, transform_indices = @transform_2, window_bounds = array<i64: 3264, 512>}, {pipeline_mode = #tpu.pipeline_mode<synchronous>, transform_indices = @transform_3, window_bounds = array<i64: 512>}, {pipeline_mode = #tpu.pipeline_mode<synchronous>, transform_indices = @transform_4, window_bounds = array<i64: 512, 64>}, {pipeline_mode = #tpu.pipeline_mode<synchronous>, transform_indices = @transform_5, window_bounds = array<i64: 64>}, {pipeline_mode = #tpu.pipeline_mode<synchronous>, transform_indices = @transform_6, window_bounds = array<i64: 64, 256>}, {pipeline_mode = #tpu.pipeline_mode<synchronous>, transform_indices = @transform_7, window_bounds = array<i64: 256>}, {pipeline_mode = #tpu.pipeline_mode<synchronous>, transform_indices = @transform_8, window_bounds = array<i64: 256, 1>}, {pipeline_mode = #tpu.pipeline_mode<synchronous>, transform_indices = @transform_9, window_bounds = array<i64: 1>}, {pipeline_mode = #tpu.pipeline_mode<synchronous>, transform_indices = @transform_10, window_bounds = array<i64: 64, 256>}, {pipeline_mode = #tpu.pipeline_mode<synchronous>, transform_indices = @transform_11, window_bounds = array<i64: 256>}, {pipeline_mode = #tpu.pipeline_mode<synchronous>, transform_indices = @transform_12, window_bounds = array<i64: 256, 128>}, {pipeline_mode = #tpu.pipeline_mode<synchronous>, transform_indices = @transform_13, window_bounds = array<i64: 128>}, {transform_indices = @transform_14, window_bounds = array<i64: 512, 3328>}, {transform_indices = @transform_15, window_bounds = array<i64: 512, 128>}, {transform_indices = @transform_16, window_bounds = array<i64: 512, 1>}]} {
    %get3A = arith.constant 0 : index
    %get3A_0 = arith.constant 0 : index
    %get3A_1 = vector.load %arg1[%get3A, %get3A_0] : memref<512x3264xf32, #tpu.memory_space<vmem>>, vector<512x3264xf32>
    %get3A_2 = arith.constant 0 : index
    %get3A_3 = arith.constant 0 : index
    %get3A_4 = vector.load %arg3[%get3A_2, %get3A_3] : memref<3264x512xf32, #tpu.memory_space<vmem>>, vector<3264x512xf32>
    %dot_general3A = arith.constant dense<0.000000e+00> : vector<512x512xf32>
    %dot_general3A_5 = tpu.matmul %get3A_1, %get3A_4, %dot_general3A {dimension_numbers = #tpu.dot_dimension_numbers<[1], [0], [0], [1], [0, 0, 1, 1], [], []>, transpose_lhs_hint = false} : vector<512x3264xf32>, vector<3264x512xf32>, vector<512x512xf32> -> vector<512x512xf32>
    %get3A_6 = arith.constant 0 : index
    %get3A_7 = vector.load %arg4[%get3A_6] : memref<512xf32, #tpu.memory_space<vmem>>, vector<512xf32>
    %broadcast_in_dim3A = vector.shape_cast %get3A_7 : vector<512xf32> to vector<1x512xf32>
    %add3A = vector.broadcast %broadcast_in_dim3A : vector<1x512xf32> to vector<512x512xf32>
    %add3A_8 = arith.addf %dot_general3A_5, %add3A : vector<512x512xf32>
    %tanh3A = math.tanh %add3A_8 : vector<512x512xf32>
    %get3A_9 = arith.constant 0 : index
    %get3A_10 = arith.constant 0 : index
    %get3A_11 = vector.load %arg5[%get3A_9, %get3A_10] : memref<512x64xf32, #tpu.memory_space<vmem>>, vector<512x64xf32>
    %dot_general3A_12 = arith.constant dense<0.000000e+00> : vector<512x64xf32>
    %dot_general3A_13 = tpu.matmul %tanh3A, %get3A_11, %dot_general3A_12 {dimension_numbers = #tpu.dot_dimension_numbers<[1], [0], [0], [1], [0, 0, 1, 1], [], []>, transpose_lhs_hint = false} : vector<512x512xf32>, vector<512x64xf32>, vector<512x64xf32> -> vector<512x64xf32>
    %get3A_14 = arith.constant 0 : index
    %get3A_15 = vector.load %arg6[%get3A_14] : memref<64xf32, #tpu.memory_space<vmem>>, vector<64xf32>
    %broadcast_in_dim3A_16 = vector.shape_cast %get3A_15 : vector<64xf32> to vector<1x64xf32>
    %add3A_17 = vector.broadcast %broadcast_in_dim3A_16 : vector<1x64xf32> to vector<512x64xf32>
    %add3A_18 = arith.addf %dot_general3A_13, %add3A_17 : vector<512x64xf32>
    %concatenate3A = tpu.concatenate %get3A_1, %add3A_18 in 1 : vector<512x3264xf32>, vector<512x64xf32> -> vector<512x3328xf32>
    %swap3A = arith.constant 0 : index
    %swap3A_19 = arith.constant 0 : index
    %swap3A_20 = vector.load %arg15[%swap3A, %swap3A_19] : memref<512x3328xf32, #tpu.memory_space<vmem>>, vector<512x3328xf32>
    tpu.vector_store %arg15[%swap3A, %swap3A_19], %concatenate3A {strides = array<i32>} : memref<512x3328xf32, #tpu.memory_space<vmem>>, vector<512x3328xf32>,
    %get3A_21 = arith.constant 0 : index
    %get3A_22 = arith.constant 0 : index
    %get3A_23 = vector.load %arg11[%get3A_21, %get3A_22] : memref<64x256xf32, #tpu.memory_space<vmem>>, vector<64x256xf32>
    %dot_general3A_24 = arith.constant dense<0.000000e+00> : vector<512x256xf32>
    %dot_general3A_25 = tpu.matmul %add3A_18, %get3A_23, %dot_general3A_24 {dimension_numbers = #tpu.dot_dimension_numbers<[1], [0], [0], [1], [0, 0, 1, 1], [], []>, transpose_lhs_hint = false} : vector<512x64xf32>, vector<64x256xf32>, vector<512x256xf32> -> vector<512x256xf32>
    %get3A_26 = arith.constant 0 : index
    %get3A_27 = vector.load %arg12[%get3A_26] : memref<256xf32, #tpu.memory_space<vmem>>, vector<256xf32>
    %broadcast_in_dim3A_28 = vector.shape_cast %get3A_27 : vector<256xf32> to vector<1x256xf32>
    %add3A_29 = vector.broadcast %broadcast_in_dim3A_28 : vector<1x256xf32> to vector<512x256xf32>
    %add3A_30 = arith.addf %dot_general3A_25, %add3A_29 : vector<512x256xf32>
    %tanh3A_31 = math.tanh %add3A_30 : vector<512x256xf32>
    %get3A_32 = arith.constant 0 : index
    %get3A_33 = arith.constant 0 : index
    %get3A_34 = vector.load %arg13[%get3A_32, %get3A_33] : memref<256x128xf32, #tpu.memory_space<vmem>>, vector<256x128xf32>
    %dot_general3A_35 = arith.constant dense<0.000000e+00> : vector<512x128xf32>
    %dot_general3A_36 = tpu.matmul %tanh3A_31, %get3A_34, %dot_general3A_35 {dimension_numbers = #tpu.dot_dimension_numbers<[1], [0], [0], [1], [0, 0, 1, 1], [], []>, transpose_lhs_hint = false} : vector<512x256xf32>, vector<256x128xf32>, vector<512x128xf32> -> vector<512x128xf32>
    %get3A_37 = arith.constant 0 : index
    %get3A_38 = vector.load %arg14[%get3A_37] : memref<128xf32, #tpu.memory_space<vmem>>, vector<128xf32>
    %broadcast_in_dim3A_39 = vector.shape_cast %get3A_38 : vector<128xf32> to vector<1x128xf32>
    %add3A_40 = vector.broadcast %broadcast_in_dim3A_39 : vector<1x128xf32> to vector<512x128xf32>
    %add3A_41 = arith.addf %dot_general3A_36, %add3A_40 : vector<512x128xf32>
    %swap3A_42 = arith.constant 0 : index
    %swap3A_43 = arith.constant 0 : index
    %swap3A_44 = vector.load %arg16[%swap3A_42, %swap3A_43] : memref<512x128xf32, #tpu.memory_space<vmem>>, vector<512x128xf32>
    tpu.vector_store %arg16[%swap3A_42, %swap3A_43], %add3A_41 {strides = array<i32>} : memref<512x128xf32, #tpu.memory_space<vmem>>, vector<512x128xf32>,
    %get3A_45 = arith.constant 0 : index
    %get3A_46 = arith.constant 0 : index
    %get3A_47 = vector.load %arg7[%get3A_45, %get3A_46] : memref<64x256xf32, #tpu.memory_space<vmem>>, vector<64x256xf32>
    %dot_general3A_48 = arith.constant dense<0.000000e+00> : vector<512x256xf32>
    %dot_general3A_49 = tpu.matmul %add3A_18, %get3A_47, %dot_general3A_48 {dimension_numbers = #tpu.dot_dimension_numbers<[1], [0], [0], [1], [0, 0, 1, 1], [], []>, transpose_lhs_hint = false} : vector<512x64xf32>, vector<64x256xf32>, vector<512x256xf32> -> vector<512x256xf32>
    %get3A_50 = arith.constant 0 : index
    %get3A_51 = vector.load %arg8[%get3A_50] : memref<256xf32, #tpu.memory_space<vmem>>, vector<256xf32>
    %broadcast_in_dim3A_52 = vector.shape_cast %get3A_51 : vector<256xf32> to vector<1x256xf32>
    %add3A_53 = vector.broadcast %broadcast_in_dim3A_52 : vector<1x256xf32> to vector<512x256xf32>
    %add3A_54 = arith.addf %dot_general3A_49, %add3A_53 : vector<512x256xf32>
    %tanh3A_55 = math.tanh %add3A_54 : vector<512x256xf32>
    %get3A_56 = arith.constant 0 : index
    %get3A_57 = arith.constant 0 : index
    %get3A_58 = vector.load %arg9[%get3A_56, %get3A_57] : memref<256x1xf32, #tpu.memory_space<vmem>>, vector<256x1xf32>
    %dot_general3A_59 = arith.constant dense<0.000000e+00> : vector<512x1xf32>
    %dot_general3A_60 = tpu.matmul %tanh3A_55, %get3A_58, %dot_general3A_59 {dimension_numbers = #tpu.dot_dimension_numbers<[1], [0], [0], [1], [0, 0, 1, 1], [], []>, transpose_lhs_hint = false} : vector<512x256xf32>, vector<256x1xf32>, vector<512x1xf32> -> vector<512x1xf32>
    %get3A_61 = arith.constant 0 : index
    %get3A_62 = vector.load %arg10[%get3A_61] : memref<1xf32, #tpu.memory_space<vmem>>, vector<1xf32>
    %broadcast_in_dim3A_63 = vector.shape_cast %get3A_62 : vector<1xf32> to vector<1x1xf32>
    %add3A_64 = vector.broadcast %broadcast_in_dim3A_63 : vector<1x1xf32> to vector<512x1xf32>
    %add3A_65 = arith.addf %dot_general3A_60, %add3A_64 : vector<512x1xf32>
    %swap3A_66 = arith.constant 0 : index
    %swap3A_67 = arith.constant 0 : index
    %swap3A_68 = vector.load %arg17[%swap3A_66, %swap3A_67] : memref<512x1xf32, #tpu.memory_space<vmem>>, vector<512x1xf32>
    tpu.vector_store %arg17[%swap3A_66, %swap3A_67], %add3A_65 {strides = array<i32>} : memref<512x1xf32, #tpu.memory_space<vmem>>, vector<512x1xf32>,
    return
  }
  func.func @transform_0(%arg0: i32) -> (i32, i32) {
    %c0_i32 = arith.constant 0 : i32
    %c0_i32_0 = arith.constant 0 : i32
    return %arg0, %c0_i32 : i32, i32
  }
  func.func @transform_1(%arg0: i32) -> (i32, i32) {
    %c0_i32 = arith.constant 0 : i32
    %c0_i32_0 = arith.constant 0 : i32
    %c0_i32_1 = arith.constant 0 : i32
    return %c0_i32, %c0_i32_0 : i32, i32
  }
  func.func @transform_2(%arg0: i32) -> (i32, i32) {
    %c0_i32 = arith.constant 0 : i32
    %c0_i32_0 = arith.constant 0 : i32
    %c0_i32_1 = arith.constant 0 : i32
    return %c0_i32, %c0_i32_0 : i32, i32
  }
  func.func @transform_3(%arg0: i32) -> i32 {
    %c0_i32 = arith.constant 0 : i32
    %c0_i32_0 = arith.constant 0 : i32
    return %c0_i32 : i32
  }
  func.func @transform_4(%arg0: i32) -> (i32, i32) {
    %c0_i32 = arith.constant 0 : i32
    %c0_i32_0 = arith.constant 0 : i32
    %c0_i32_1 = arith.constant 0 : i32
    return %c0_i32, %c0_i32_0 : i32, i32
  }
  func.func @transform_5(%arg0: i32) -> i32 {
    %c0_i32 = arith.constant 0 : i32
    %c0_i32_0 = arith.constant 0 : i32
    return %c0_i32 : i32
  }
  func.func @transform_6(%arg0: i32) -> (i32, i32) {
    %c0_i32 = arith.constant 0 : i32
    %c0_i32_0 = arith.constant 0 : i32
    %c0_i32_1 = arith.constant 0 : i32
    return %c0_i32, %c0_i32_0 : i32, i32
  }
  func.func @transform_7(%arg0: i32) -> i32 {
    %c0_i32 = arith.constant 0 : i32
    %c0_i32_0 = arith.constant 0 : i32
    return %c0_i32 : i32
  }
  func.func @transform_8(%arg0: i32) -> (i32, i32) {
    %c0_i32 = arith.constant 0 : i32
    %c0_i32_0 = arith.constant 0 : i32
    %c0_i32_1 = arith.constant 0 : i32
    return %c0_i32, %c0_i32_0 : i32, i32
  }
  func.func @transform_9(%arg0: i32) -> i32 {
    %c0_i32 = arith.constant 0 : i32
    %c0_i32_0 = arith.constant 0 : i32
    return %c0_i32 : i32
  }
  func.func @transform_10(%arg0: i32) -> (i32, i32) {
    %c0_i32 = arith.constant 0 : i32
    %c0_i32_0 = arith.constant 0 : i32
    %c0_i32_1 = arith.constant 0 : i32
    return %c0_i32, %c0_i32_0 : i32, i32
  }
  func.func @transform_11(%arg0: i32) -> i32 {
    %c0_i32 = arith.constant 0 : i32
    %c0_i32_0 = arith.constant 0 : i32
    return %c0_i32 : i32
  }
  func.func @transform_12(%arg0: i32) -> (i32, i32) {
    %c0_i32 = arith.constant 0 : i32
    %c0_i32_0 = arith.constant 0 : i32
    %c0_i32_1 = arith.constant 0 : i32
    return %c0_i32, %c0_i32_0 : i32, i32
  }
  func.func @transform_13(%arg0: i32) -> i32 {
    %c0_i32 = arith.constant 0 : i32
    %c0_i32_0 = arith.constant 0 : i32
    return %c0_i32 : i32
  }
  func.func @transform_14(%arg0: i32) -> (i32, i32) {
    %c0_i32 = arith.constant 0 : i32
    %c0_i32_0 = arith.constant 0 : i32
    return %arg0, %c0_i32 : i32, i32
  }
  func.func @transform_15(%arg0: i32) -> (i32, i32) {
    %c0_i32 = arith.constant 0 : i32
    %c0_i32_0 = arith.constant 0 : i32
    return %arg0, %c0_i32 : i32, i32
  }
  func.func @transform_16(%arg0: i32) -> (i32, i32) {
    %c0_i32 = arith.constant 0 : i32
    %c0_i32_0 = arith.constant 0 : i32
    return %arg0, %c0_i32 : i32, i32
  }
}

module attributes {stable_mosaic.version = 14 : i64} {
  func.func @_sample_body(%arg0: i32, %arg1: memref<1x4096xf32, #tpu.memory_space<vmem>>, %arg2: memref<1024x1xi32, #tpu.memory_space<vmem>>) attributes {dimension_semantics = [#tpu.dimension_semantics<arbitrary>], iteration_bounds = array<i64: 4>, scalar_prefetch = 0 : i64, scratch_operands = 0 : i64, tpu.core_type = #tpu.core_type<tc>, window_params = [{pipeline_mode = #tpu.pipeline_mode<synchronous>, transform_indices = @transform_0, window_bounds = array<i64: 1, 4096>}, {transform_indices = @transform_1, window_bounds = array<i64: 1024, 1>}]} {
    %mul3A = arith.constant 1024 : i32
    %mul3A_0 = arith.muli %arg0, %mul3A : i32
    %iota3A = tpu.iota {dimensions = array<i32: 0>} : vector<1024x1024xi32>
    %iota3A_1 = tpu.iota {dimensions = array<i32: 1>} : vector<1024x1024xi32>
    %add3A = vector.broadcast %mul3A_0 : i32 to vector<1024x1024xi32>
    %add3A_2 = arith.addi %add3A, %iota3A : vector<1024x1024xi32>
    %mul3A_3 = arith.constant 4096 : i32
    %mul3A_4 = vector.broadcast %mul3A_3 : i32 to vector<1024x1024xi32>
    %mul3A_5 = arith.muli %add3A_2, %mul3A_4 : vector<1024x1024xi32>
    %add3A_6 = arith.addi %mul3A_5, %iota3A_1 : vector<1024x1024xi32>
    %add3A_7 = arith.constant 0 : i32
    %add3A_8 = vector.broadcast %add3A_7 : i32 to vector<1024x1024xi32>
    %add3A_9 = arith.addi %add3A_6, %add3A_8 : vector<1024x1024xi32>
    %broadcast_in_dim3A = arith.constant 0 : i32
    %broadcast_in_dim3A_10 = vector.broadcast %broadcast_in_dim3A : i32 to vector<1024x1024xi32>
    %add3A_11 = arith.constant 0 : i32
    %add3A_12 = vector.broadcast %add3A_11 : i32 to vector<1024x1024xi32>
    %add3A_13 = arith.addi %broadcast_in_dim3A_10, %add3A_12 : vector<1024x1024xi32>
    %add3A_14 = arith.constant 42 : i32
    %add3A_15 = vector.broadcast %add3A_14 : i32 to vector<1024x1024xi32>
    %add3A_16 = arith.addi %add3A_9, %add3A_15 : vector<1024x1024xi32>
    %add3A_17 = arith.addi %add3A_13, %add3A_16 : vector<1024x1024xi32>
    %shift_left3A = arith.constant 13 : i32
    %shift_left3A_18 = vector.broadcast %shift_left3A : i32 to vector<1024x1024xi32>
    %shift_left3A_19 = arith.shli %add3A_16, %shift_left3A_18 : vector<1024x1024xi32>
    %shift_right_logical3A = arith.constant 19 : i32
    %shift_right_logical3A_20 = vector.broadcast %shift_right_logical3A : i32 to vector<1024x1024xi32>
    %shift_right_logical3A_21 = arith.shrui %add3A_16, %shift_right_logical3A_20 : vector<1024x1024xi32>
    %or3A = arith.ori %shift_left3A_19, %shift_right_logical3A_21 : vector<1024x1024xi32>
    %xor3A = arith.xori %add3A_17, %or3A : vector<1024x1024xi32>
    %add3A_22 = arith.addi %add3A_17, %xor3A : vector<1024x1024xi32>
    %shift_left3A_23 = arith.constant 15 : i32
    %shift_left3A_24 = vector.broadcast %shift_left3A_23 : i32 to vector<1024x1024xi32>
    %shift_left3A_25 = arith.shli %xor3A, %shift_left3A_24 : vector<1024x1024xi32>
    %shift_right_logical3A_26 = arith.constant 17 : i32
    %shift_right_logical3A_27 = vector.broadcast %shift_right_logical3A_26 : i32 to vector<1024x1024xi32>
    %shift_right_logical3A_28 = arith.shrui %xor3A, %shift_right_logical3A_27 : vector<1024x1024xi32>
    %or3A_29 = arith.ori %shift_left3A_25, %shift_right_logical3A_28 : vector<1024x1024xi32>
    %xor3A_30 = arith.xori %add3A_22, %or3A_29 : vector<1024x1024xi32>
    %add3A_31 = arith.addi %add3A_22, %xor3A_30 : vector<1024x1024xi32>
    %shift_left3A_32 = arith.constant 26 : i32
    %shift_left3A_33 = vector.broadcast %shift_left3A_32 : i32 to vector<1024x1024xi32>
    %shift_left3A_34 = arith.shli %xor3A_30, %shift_left3A_33 : vector<1024x1024xi32>
    %shift_right_logical3A_35 = arith.constant 6 : i32
    %shift_right_logical3A_36 = vector.broadcast %shift_right_logical3A_35 : i32 to vector<1024x1024xi32>
    %shift_right_logical3A_37 = arith.shrui %xor3A_30, %shift_right_logical3A_36 : vector<1024x1024xi32>
    %or3A_38 = arith.ori %shift_left3A_34, %shift_right_logical3A_37 : vector<1024x1024xi32>
    %xor3A_39 = arith.xori %add3A_31, %or3A_38 : vector<1024x1024xi32>
    %add3A_40 = arith.addi %add3A_31, %xor3A_39 : vector<1024x1024xi32>
    %shift_left3A_41 = arith.constant 6 : i32
    %shift_left3A_42 = vector.broadcast %shift_left3A_41 : i32 to vector<1024x1024xi32>
    %shift_left3A_43 = arith.shli %xor3A_39, %shift_left3A_42 : vector<1024x1024xi32>
    %shift_right_logical3A_44 = arith.constant 26 : i32
    %shift_right_logical3A_45 = vector.broadcast %shift_right_logical3A_44 : i32 to vector<1024x1024xi32>
    %shift_right_logical3A_46 = arith.shrui %xor3A_39, %shift_right_logical3A_45 : vector<1024x1024xi32>
    %or3A_47 = arith.ori %shift_left3A_43, %shift_right_logical3A_46 : vector<1024x1024xi32>
    %xor3A_48 = arith.xori %add3A_40, %or3A_47 : vector<1024x1024xi32>
    %add3A_49 = arith.constant 42 : i32
    %add3A_50 = vector.broadcast %add3A_49 : i32 to vector<1024x1024xi32>
    %add3A_51 = arith.addi %add3A_40, %add3A_50 : vector<1024x1024xi32>
    %add3A_52 = arith.constant 466689008 : i32
    %add3A_53 = vector.broadcast %add3A_52 : i32 to vector<1024x1024xi32>
    %add3A_54 = arith.addi %xor3A_48, %add3A_53 : vector<1024x1024xi32>
    %add3A_55 = arith.constant 1 : i32
    %add3A_56 = vector.broadcast %add3A_55 : i32 to vector<1024x1024xi32>
    %add3A_57 = arith.addi %add3A_54, %add3A_56 : vector<1024x1024xi32>
    %add3A_58 = arith.addi %add3A_51, %add3A_57 : vector<1024x1024xi32>
    %shift_left3A_59 = arith.constant 17 : i32
    %shift_left3A_60 = vector.broadcast %shift_left3A_59 : i32 to vector<1024x1024xi32>
    %shift_left3A_61 = arith.shli %add3A_57, %shift_left3A_60 : vector<1024x1024xi32>
    %shift_right_logical3A_62 = arith.constant 15 : i32
    %shift_right_logical3A_63 = vector.broadcast %shift_right_logical3A_62 : i32 to vector<1024x1024xi32>
    %shift_right_logical3A_64 = arith.shrui %add3A_57, %shift_right_logical3A_63 : vector<1024x1024xi32>
    %or3A_65 = arith.ori %shift_left3A_61, %shift_right_logical3A_64 : vector<1024x1024xi32>
    %xor3A_66 = arith.xori %add3A_58, %or3A_65 : vector<1024x1024xi32>
    %add3A_67 = arith.addi %add3A_58, %xor3A_66 : vector<1024x1024xi32>
    %shift_left3A_68 = arith.constant 29 : i32
    %shift_left3A_69 = vector.broadcast %shift_left3A_68 : i32 to vector<1024x1024xi32>
    %shift_left3A_70 = arith.shli %xor3A_66, %shift_left3A_69 : vector<1024x1024xi32>
    %shift_right_logical3A_71 = arith.constant 3 : i32
    %shift_right_logical3A_72 = vector.broadcast %shift_right_logical3A_71 : i32 to vector<1024x1024xi32>
    %shift_right_logical3A_73 = arith.shrui %xor3A_66, %shift_right_logical3A_72 : vector<1024x1024xi32>
    %or3A_74 = arith.ori %shift_left3A_70, %shift_right_logical3A_73 : vector<1024x1024xi32>
    %xor3A_75 = arith.xori %add3A_67, %or3A_74 : vector<1024x1024xi32>
    %add3A_76 = arith.addi %add3A_67, %xor3A_75 : vector<1024x1024xi32>
    %shift_left3A_77 = arith.constant 16 : i32
    %shift_left3A_78 = vector.broadcast %shift_left3A_77 : i32 to vector<1024x1024xi32>
    %shift_left3A_79 = arith.shli %xor3A_75, %shift_left3A_78 : vector<1024x1024xi32>
    %shift_right_logical3A_80 = arith.constant 16 : i32
    %shift_right_logical3A_81 = vector.broadcast %shift_right_logical3A_80 : i32 to vector<1024x1024xi32>
    %shift_right_logical3A_82 = arith.shrui %xor3A_75, %shift_right_logical3A_81 : vector<1024x1024xi32>
    %or3A_83 = arith.ori %shift_left3A_79, %shift_right_logical3A_82 : vector<1024x1024xi32>
    %xor3A_84 = arith.xori %add3A_76, %or3A_83 : vector<1024x1024xi32>
    %add3A_85 = arith.addi %add3A_76, %xor3A_84 : vector<1024x1024xi32>
    %shift_left3A_86 = arith.constant 24 : i32
    %shift_left3A_87 = vector.broadcast %shift_left3A_86 : i32 to vector<1024x1024xi32>
    %shift_left3A_88 = arith.shli %xor3A_84, %shift_left3A_87 : vector<1024x1024xi32>
    %shift_right_logical3A_89 = arith.constant 8 : i32
    %shift_right_logical3A_90 = vector.broadcast %shift_right_logical3A_89 : i32 to vector<1024x1024xi32>
    %shift_right_logical3A_91 = arith.shrui %xor3A_84, %shift_right_logical3A_90 : vector<1024x1024xi32>
    %or3A_92 = arith.ori %shift_left3A_88, %shift_right_logical3A_91 : vector<1024x1024xi32>
    %xor3A_93 = arith.xori %add3A_85, %or3A_92 : vector<1024x1024xi32>
    %add3A_94 = arith.constant 466689008 : i32
    %add3A_95 = vector.broadcast %add3A_94 : i32 to vector<1024x1024xi32>
    %add3A_96 = arith.addi %add3A_85, %add3A_95 : vector<1024x1024xi32>
    %add3A_97 = arith.constant 0 : i32
    %add3A_98 = vector.broadcast %add3A_97 : i32 to vector<1024x1024xi32>
    %add3A_99 = arith.addi %xor3A_93, %add3A_98 : vector<1024x1024xi32>
    %add3A_100 = arith.constant 2 : i32
    %add3A_101 = vector.broadcast %add3A_100 : i32 to vector<1024x1024xi32>
    %add3A_102 = arith.addi %add3A_99, %add3A_101 : vector<1024x1024xi32>
    %add3A_103 = arith.addi %add3A_96, %add3A_102 : vector<1024x1024xi32>
    %shift_left3A_104 = arith.constant 13 : i32
    %shift_left3A_105 = vector.broadcast %shift_left3A_104 : i32 to vector<1024x1024xi32>
    %shift_left3A_106 = arith.shli %add3A_102, %shift_left3A_105 : vector<1024x1024xi32>
    %shift_right_logical3A_107 = arith.constant 19 : i32
    %shift_right_logical3A_108 = vector.broadcast %shift_right_logical3A_107 : i32 to vector<1024x1024xi32>
    %shift_right_logical3A_109 = arith.shrui %add3A_102, %shift_right_logical3A_108 : vector<1024x1024xi32>
    %or3A_110 = arith.ori %shift_left3A_106, %shift_right_logical3A_109 : vector<1024x1024xi32>
    %xor3A_111 = arith.xori %add3A_103, %or3A_110 : vector<1024x1024xi32>
    %add3A_112 = arith.addi %add3A_103, %xor3A_111 : vector<1024x1024xi32>
    %shift_left3A_113 = arith.constant 15 : i32
    %shift_left3A_114 = vector.broadcast %shift_left3A_113 : i32 to vector<1024x1024xi32>
    %shift_left3A_115 = arith.shli %xor3A_111, %shift_left3A_114 : vector<1024x1024xi32>
    %shift_right_logical3A_116 = arith.constant 17 : i32
    %shift_right_logical3A_117 = vector.broadcast %shift_right_logical3A_116 : i32 to vector<1024x1024xi32>
    %shift_right_logical3A_118 = arith.shrui %xor3A_111, %shift_right_logical3A_117 : vector<1024x1024xi32>
    %or3A_119 = arith.ori %shift_left3A_115, %shift_right_logical3A_118 : vector<1024x1024xi32>
    %xor3A_120 = arith.xori %add3A_112, %or3A_119 : vector<1024x1024xi32>
    %add3A_121 = arith.addi %add3A_112, %xor3A_120 : vector<1024x1024xi32>
    %shift_left3A_122 = arith.constant 26 : i32
    %shift_left3A_123 = vector.broadcast %shift_left3A_122 : i32 to vector<1024x1024xi32>
    %shift_left3A_124 = arith.shli %xor3A_120, %shift_left3A_123 : vector<1024x1024xi32>
    %shift_right_logical3A_125 = arith.constant 6 : i32
    %shift_right_logical3A_126 = vector.broadcast %shift_right_logical3A_125 : i32 to vector<1024x1024xi32>
    %shift_right_logical3A_127 = arith.shrui %xor3A_120, %shift_right_logical3A_126 : vector<1024x1024xi32>
    %or3A_128 = arith.ori %shift_left3A_124, %shift_right_logical3A_127 : vector<1024x1024xi32>
    %xor3A_129 = arith.xori %add3A_121, %or3A_128 : vector<1024x1024xi32>
    %add3A_130 = arith.addi %add3A_121, %xor3A_129 : vector<1024x1024xi32>
    %shift_left3A_131 = arith.constant 6 : i32
    %shift_left3A_132 = vector.broadcast %shift_left3A_131 : i32 to vector<1024x1024xi32>
    %shift_left3A_133 = arith.shli %xor3A_129, %shift_left3A_132 : vector<1024x1024xi32>
    %shift_right_logical3A_134 = arith.constant 26 : i32
    %shift_right_logical3A_135 = vector.broadcast %shift_right_logical3A_134 : i32 to vector<1024x1024xi32>
    %shift_right_logical3A_136 = arith.shrui %xor3A_129, %shift_right_logical3A_135 : vector<1024x1024xi32>
    %or3A_137 = arith.ori %shift_left3A_133, %shift_right_logical3A_136 : vector<1024x1024xi32>
    %xor3A_138 = arith.xori %add3A_130, %or3A_137 : vector<1024x1024xi32>
    %add3A_139 = arith.constant 0 : i32
    %add3A_140 = vector.broadcast %add3A_139 : i32 to vector<1024x1024xi32>
    %add3A_141 = arith.addi %add3A_130, %add3A_140 : vector<1024x1024xi32>
    %add3A_142 = arith.constant 42 : i32
    %add3A_143 = vector.broadcast %add3A_142 : i32 to vector<1024x1024xi32>
    %add3A_144 = arith.addi %xor3A_138, %add3A_143 : vector<1024x1024xi32>
    %add3A_145 = arith.constant 3 : i32
    %add3A_146 = vector.broadcast %add3A_145 : i32 to vector<1024x1024xi32>
    %add3A_147 = arith.addi %add3A_144, %add3A_146 : vector<1024x1024xi32>
    %add3A_148 = arith.addi %add3A_141, %add3A_147 : vector<1024x1024xi32>
    %shift_left3A_149 = arith.constant 17 : i32
    %shift_left3A_150 = vector.broadcast %shift_left3A_149 : i32 to vector<1024x1024xi32>
    %shift_left3A_151 = arith.shli %add3A_147, %shift_left3A_150 : vector<1024x1024xi32>
    %shift_right_logical3A_152 = arith.constant 15 : i32
    %shift_right_logical3A_153 = vector.broadcast %shift_right_logical3A_152 : i32 to vector<1024x1024xi32>
    %shift_right_logical3A_154 = arith.shrui %add3A_147, %shift_right_logical3A_153 : vector<1024x1024xi32>
    %or3A_155 = arith.ori %shift_left3A_151, %shift_right_logical3A_154 : vector<1024x1024xi32>
    %xor3A_156 = arith.xori %add3A_148, %or3A_155 : vector<1024x1024xi32>
    %add3A_157 = arith.addi %add3A_148, %xor3A_156 : vector<1024x1024xi32>
    %shift_left3A_158 = arith.constant 29 : i32
    %shift_left3A_159 = vector.broadcast %shift_left3A_158 : i32 to vector<1024x1024xi32>
    %shift_left3A_160 = arith.shli %xor3A_156, %shift_left3A_159 : vector<1024x1024xi32>
    %shift_right_logical3A_161 = arith.constant 3 : i32
    %shift_right_logical3A_162 = vector.broadcast %shift_right_logical3A_161 : i32 to vector<1024x1024xi32>
    %shift_right_logical3A_163 = arith.shrui %xor3A_156, %shift_right_logical3A_162 : vector<1024x1024xi32>
    %or3A_164 = arith.ori %shift_left3A_160, %shift_right_logical3A_163 : vector<1024x1024xi32>
    %xor3A_165 = arith.xori %add3A_157, %or3A_164 : vector<1024x1024xi32>
    %add3A_166 = arith.addi %add3A_157, %xor3A_165 : vector<1024x1024xi32>
    %shift_left3A_167 = arith.constant 16 : i32
    %shift_left3A_168 = vector.broadcast %shift_left3A_167 : i32 to vector<1024x1024xi32>
    %shift_left3A_169 = arith.shli %xor3A_165, %shift_left3A_168 : vector<1024x1024xi32>
    %shift_right_logical3A_170 = arith.constant 16 : i32
    %shift_right_logical3A_171 = vector.broadcast %shift_right_logical3A_170 : i32 to vector<1024x1024xi32>
    %shift_right_logical3A_172 = arith.shrui %xor3A_165, %shift_right_logical3A_171 : vector<1024x1024xi32>
    %or3A_173 = arith.ori %shift_left3A_169, %shift_right_logical3A_172 : vector<1024x1024xi32>
    %xor3A_174 = arith.xori %add3A_166, %or3A_173 : vector<1024x1024xi32>
    %add3A_175 = arith.addi %add3A_166, %xor3A_174 : vector<1024x1024xi32>
    %shift_left3A_176 = arith.constant 24 : i32
    %shift_left3A_177 = vector.broadcast %shift_left3A_176 : i32 to vector<1024x1024xi32>
    %shift_left3A_178 = arith.shli %xor3A_174, %shift_left3A_177 : vector<1024x1024xi32>
    %shift_right_logical3A_179 = arith.constant 8 : i32
    %shift_right_logical3A_180 = vector.broadcast %shift_right_logical3A_179 : i32 to vector<1024x1024xi32>
    %shift_right_logical3A_181 = arith.shrui %xor3A_174, %shift_right_logical3A_180 : vector<1024x1024xi32>
    %or3A_182 = arith.ori %shift_left3A_178, %shift_right_logical3A_181 : vector<1024x1024xi32>
    %xor3A_183 = arith.xori %add3A_175, %or3A_182 : vector<1024x1024xi32>
    %add3A_184 = arith.constant 42 : i32
    %add3A_185 = vector.broadcast %add3A_184 : i32 to vector<1024x1024xi32>
    %add3A_186 = arith.addi %add3A_175, %add3A_185 : vector<1024x1024xi32>
    %add3A_187 = arith.constant 466689008 : i32
    %add3A_188 = vector.broadcast %add3A_187 : i32 to vector<1024x1024xi32>
    %add3A_189 = arith.addi %xor3A_183, %add3A_188 : vector<1024x1024xi32>
    %add3A_190 = arith.constant 4 : i32
    %add3A_191 = vector.broadcast %add3A_190 : i32 to vector<1024x1024xi32>
    %add3A_192 = arith.addi %add3A_189, %add3A_191 : vector<1024x1024xi32>
    %add3A_193 = arith.addi %add3A_186, %add3A_192 : vector<1024x1024xi32>
    %shift_left3A_194 = arith.constant 13 : i32
    %shift_left3A_195 = vector.broadcast %shift_left3A_194 : i32 to vector<1024x1024xi32>
    %shift_left3A_196 = arith.shli %add3A_192, %shift_left3A_195 : vector<1024x1024xi32>
    %shift_right_logical3A_197 = arith.constant 19 : i32
    %shift_right_logical3A_198 = vector.broadcast %shift_right_logical3A_197 : i32 to vector<1024x1024xi32>
    %shift_right_logical3A_199 = arith.shrui %add3A_192, %shift_right_logical3A_198 : vector<1024x1024xi32>
    %or3A_200 = arith.ori %shift_left3A_196, %shift_right_logical3A_199 : vector<1024x1024xi32>
    %xor3A_201 = arith.xori %add3A_193, %or3A_200 : vector<1024x1024xi32>
    %add3A_202 = arith.addi %add3A_193, %xor3A_201 : vector<1024x1024xi32>
    %shift_left3A_203 = arith.constant 15 : i32
    %shift_left3A_204 = vector.broadcast %shift_left3A_203 : i32 to vector<1024x1024xi32>
    %shift_left3A_205 = arith.shli %xor3A_201, %shift_left3A_204 : vector<1024x1024xi32>
    %shift_right_logical3A_206 = arith.constant 17 : i32
    %shift_right_logical3A_207 = vector.broadcast %shift_right_logical3A_206 : i32 to vector<1024x1024xi32>
    %shift_right_logical3A_208 = arith.shrui %xor3A_201, %shift_right_logical3A_207 : vector<1024x1024xi32>
    %or3A_209 = arith.ori %shift_left3A_205, %shift_right_logical3A_208 : vector<1024x1024xi32>
    %xor3A_210 = arith.xori %add3A_202, %or3A_209 : vector<1024x1024xi32>
    %add3A_211 = arith.addi %add3A_202, %xor3A_210 : vector<1024x1024xi32>
    %shift_left3A_212 = arith.constant 26 : i32
    %shift_left3A_213 = vector.broadcast %shift_left3A_212 : i32 to vector<1024x1024xi32>
    %shift_left3A_214 = arith.shli %xor3A_210, %shift_left3A_213 : vector<1024x1024xi32>
    %shift_right_logical3A_215 = arith.constant 6 : i32
    %shift_right_logical3A_216 = vector.broadcast %shift_right_logical3A_215 : i32 to vector<1024x1024xi32>
    %shift_right_logical3A_217 = arith.shrui %xor3A_210, %shift_right_logical3A_216 : vector<1024x1024xi32>
    %or3A_218 = arith.ori %shift_left3A_214, %shift_right_logical3A_217 : vector<1024x1024xi32>
    %xor3A_219 = arith.xori %add3A_211, %or3A_218 : vector<1024x1024xi32>
    %add3A_220 = arith.addi %add3A_211, %xor3A_219 : vector<1024x1024xi32>
    %shift_left3A_221 = arith.constant 6 : i32
    %shift_left3A_222 = vector.broadcast %shift_left3A_221 : i32 to vector<1024x1024xi32>
    %shift_left3A_223 = arith.shli %xor3A_219, %shift_left3A_222 : vector<1024x1024xi32>
    %shift_right_logical3A_224 = arith.constant 26 : i32
    %shift_right_logical3A_225 = vector.broadcast %shift_right_logical3A_224 : i32 to vector<1024x1024xi32>
    %shift_right_logical3A_226 = arith.shrui %xor3A_219, %shift_right_logical3A_225 : vector<1024x1024xi32>
    %or3A_227 = arith.ori %shift_left3A_223, %shift_right_logical3A_226 : vector<1024x1024xi32>
    %xor3A_228 = arith.xori %add3A_220, %or3A_227 : vector<1024x1024xi32>
    %add3A_229 = arith.constant 466689008 : i32
    %add3A_230 = vector.broadcast %add3A_229 : i32 to vector<1024x1024xi32>
    %add3A_231 = arith.addi %add3A_220, %add3A_230 : vector<1024x1024xi32>
    %add3A_232 = arith.constant 0 : i32
    %add3A_233 = vector.broadcast %add3A_232 : i32 to vector<1024x1024xi32>
    %add3A_234 = arith.addi %xor3A_228, %add3A_233 : vector<1024x1024xi32>
    %add3A_235 = arith.constant 5 : i32
    %add3A_236 = vector.broadcast %add3A_235 : i32 to vector<1024x1024xi32>
    %add3A_237 = arith.addi %add3A_234, %add3A_236 : vector<1024x1024xi32>
    %xor3A_238 = arith.xori %add3A_231, %add3A_237 : vector<1024x1024xi32>
    %shift_right_logical3A_239 = arith.constant 9 : i32
    %shift_right_logical3A_240 = vector.broadcast %shift_right_logical3A_239 : i32 to vector<1024x1024xi32>
    %shift_right_logical3A_241 = arith.shrui %xor3A_238, %shift_right_logical3A_240 : vector<1024x1024xi32>
    %or3A_242 = arith.constant 1065353216 : i32
    %or3A_243 = vector.broadcast %or3A_242 : i32 to vector<1024x1024xi32>
    %or3A_244 = arith.ori %shift_right_logical3A_241, %or3A_243 : vector<1024x1024xi32>
    %bitcast_convert_type3A = tpu.bitcast %or3A_244 : vector<1024x1024xi32> -> vector<1024x1024xf32>
    %sub3A = arith.constant 1.000000e+00 : f32
    %sub3A_245 = vector.broadcast %sub3A : f32 to vector<1024x1024xf32>
    %sub3A_246 = arith.subf %bitcast_convert_type3A, %sub3A_245 : vector<1024x1024xf32>
    %mul3A_247 = arith.constant 1.000000e+00 : f32
    %mul3A_248 = vector.broadcast %mul3A_247 : f32 to vector<1024x1024xf32>
    %mul3A_249 = arith.mulf %sub3A_246, %mul3A_248 : vector<1024x1024xf32>
    %add3A_250 = arith.constant 1.17549435E-38 : f32
    %add3A_251 = vector.broadcast %add3A_250 : f32 to vector<1024x1024xf32>
    %add3A_252 = arith.addf %mul3A_249, %add3A_251 : vector<1024x1024xf32>
    %max3A = arith.constant 1.17549435E-38 : f32
    %max3A_253 = vector.broadcast %max3A : f32 to vector<1024x1024xf32>
    %max3A_254 = arith.maximumf %max3A_253, %add3A_252 : vector<1024x1024xf32>
    %log3A = math.log %max3A_254 : vector<1024x1024xf32>
    %neg3A = arith.constant 0.000000e+00 : f32
    %neg3A_255 = vector.broadcast %neg3A : f32 to vector<1024x1024xf32>
    %neg3A_256 = arith.subf %neg3A_255, %log3A : vector<1024x1024xf32>
    %log3A_257 = math.log %neg3A_256 : vector<1024x1024xf32>
    %neg3A_258 = arith.constant 0.000000e+00 : f32
    %neg3A_259 = vector.broadcast %neg3A_258 : f32 to vector<1024x1024xf32>
    %neg3A_260 = arith.subf %neg3A_259, %log3A_257 : vector<1024x1024xf32>
    %get3A = arith.constant 0 : index
    %get3A_261 = arith.constant 0 : index
    %get3A_262 = vector.load %arg1[%get3A, %get3A_261] : memref<1x4096xf32, #tpu.memory_space<vmem>>, vector<1x1024xf32>
    %get3A_263 = vector.shape_cast %get3A_262 : vector<1x1024xf32> to vector<1024xf32>
    %broadcast_in_dim3A_264 = vector.shape_cast %get3A_263 : vector<1024xf32> to vector<1x1024xf32>
    %add3A_265 = vector.broadcast %broadcast_in_dim3A_264 : vector<1x1024xf32> to vector<1024x1024xf32>
    %add3A_266 = arith.addf %neg3A_260, %add3A_265 : vector<1024x1024xf32>
    %reduce_max3A = arith.constant dense<0xFF800000> : vector<1024xf32>
    %reduce_max3A_267 = vector.multi_reduction <maximumf>, %add3A_266, %reduce_max3A [1] : vector<1024x1024xf32> to vector<1024xf32>
    %broadcast_in_dim3A_268 = vector.shape_cast %reduce_max3A_267 : vector<1024xf32> to vector<1024x1xf32>
    %iota3A_269 = tpu.iota {dimensions = array<i32: 1>} : vector<1024x1024xi32>
    %add3A_270 = arith.constant 0 : i32
    %add3A_271 = vector.broadcast %add3A_270 : i32 to vector<1024x1024xi32>
    %add3A_272 = arith.addi %iota3A_269, %add3A_271 : vector<1024x1024xi32>
    %eq3A = vector.broadcast %broadcast_in_dim3A_268 : vector<1024x1xf32> to vector<1024x1024xf32>
    %eq3A_273 = arith.cmpf oeq, %add3A_266, %eq3A : vector<1024x1024xf32>
    %jit3A = arith.constant 4096 : i32
    %broadcast_in_dim3A_274 = vector.broadcast %jit3A : i32 to vector<1024x1024xi32>
    %select_n3A = arith.select %eq3A_273, %add3A_272, %broadcast_in_dim3A_274 : vector<1024x1024xi1>, vector<1024x1024xi32>
    %reduce_min3A = arith.constant dense<2147483647> : vector<1024xi32>
    %reduce_min3A_275 = vector.multi_reduction <minsi>, %select_n3A, %reduce_min3A [1] : vector<1024x1024xi32> to vector<1024xi32>
    %broadcast_in_dim3A_276 = vector.shape_cast %reduce_min3A_275 : vector<1024xi32> to vector<1024x1xi32>
    %add3A_277 = vector.broadcast %mul3A_0 : i32 to vector<1024x1024xi32>
    %add3A_278 = arith.addi %add3A_277, %iota3A : vector<1024x1024xi32>
    %mul3A_279 = arith.constant 4096 : i32
    %mul3A_280 = vector.broadcast %mul3A_279 : i32 to vector<1024x1024xi32>
    %mul3A_281 = arith.muli %add3A_278, %mul3A_280 : vector<1024x1024xi32>
    %add3A_282 = arith.addi %mul3A_281, %iota3A_1 : vector<1024x1024xi32>
    %add3A_283 = arith.constant 1024 : i32
    %add3A_284 = vector.broadcast %add3A_283 : i32 to vector<1024x1024xi32>
    %add3A_285 = arith.addi %add3A_282, %add3A_284 : vector<1024x1024xi32>
    %broadcast_in_dim3A_286 = arith.constant 0 : i32
    %broadcast_in_dim3A_287 = vector.broadcast %broadcast_in_dim3A_286 : i32 to vector<1024x1024xi32>
    %add3A_288 = arith.constant 0 : i32
    %add3A_289 = vector.broadcast %add3A_288 : i32 to vector<1024x1024xi32>
    %add3A_290 = arith.addi %broadcast_in_dim3A_287, %add3A_289 : vector<1024x1024xi32>
    %add3A_291 = arith.constant 42 : i32
    %add3A_292 = vector.broadcast %add3A_291 : i32 to vector<1024x1024xi32>
    %add3A_293 = arith.addi %add3A_285, %add3A_292 : vector<1024x1024xi32>
    %add3A_294 = arith.addi %add3A_290, %add3A_293 : vector<1024x1024xi32>
    %shift_left3A_295 = arith.constant 13 : i32
    %shift_left3A_296 = vector.broadcast %shift_left3A_295 : i32 to vector<1024x1024xi32>
    %shift_left3A_297 = arith.shli %add3A_293, %shift_left3A_296 : vector<1024x1024xi32>
    %shift_right_logical3A_298 = arith.constant 19 : i32
    %shift_right_logical3A_299 = vector.broadcast %shift_right_logical3A_298 : i32 to vector<1024x1024xi32>
    %shift_right_logical3A_300 = arith.shrui %add3A_293, %shift_right_logical3A_299 : vector<1024x1024xi32>
    %or3A_301 = arith.ori %shift_left3A_297, %shift_right_logical3A_300 : vector<1024x1024xi32>
    %xor3A_302 = arith.xori %add3A_294, %or3A_301 : vector<1024x1024xi32>
    %add3A_303 = arith.addi %add3A_294, %xor3A_302 : vector<1024x1024xi32>
    %shift_left3A_304 = arith.constant 15 : i32
    %shift_left3A_305 = vector.broadcast %shift_left3A_304 : i32 to vector<1024x1024xi32>
    %shift_left3A_306 = arith.shli %xor3A_302, %shift_left3A_305 : vector<1024x1024xi32>
    %shift_right_logical3A_307 = arith.constant 17 : i32
    %shift_right_logical3A_308 = vector.broadcast %shift_right_logical3A_307 : i32 to vector<1024x1024xi32>
    %shift_right_logical3A_309 = arith.shrui %xor3A_302, %shift_right_logical3A_308 : vector<1024x1024xi32>
    %or3A_310 = arith.ori %shift_left3A_306, %shift_right_logical3A_309 : vector<1024x1024xi32>
    %xor3A_311 = arith.xori %add3A_303, %or3A_310 : vector<1024x1024xi32>
    %add3A_312 = arith.addi %add3A_303, %xor3A_311 : vector<1024x1024xi32>
    %shift_left3A_313 = arith.constant 26 : i32
    %shift_left3A_314 = vector.broadcast %shift_left3A_313 : i32 to vector<1024x1024xi32>
    %shift_left3A_315 = arith.shli %xor3A_311, %shift_left3A_314 : vector<1024x1024xi32>
    %shift_right_logical3A_316 = arith.constant 6 : i32
    %shift_right_logical3A_317 = vector.broadcast %shift_right_logical3A_316 : i32 to vector<1024x1024xi32>
    %shift_right_logical3A_318 = arith.shrui %xor3A_311, %shift_right_logical3A_317 : vector<1024x1024xi32>
    %or3A_319 = arith.ori %shift_left3A_315, %shift_right_logical3A_318 : vector<1024x1024xi32>
    %xor3A_320 = arith.xori %add3A_312, %or3A_319 : vector<1024x1024xi32>
    %add3A_321 = arith.addi %add3A_312, %xor3A_320 : vector<1024x1024xi32>
    %shift_left3A_322 = arith.constant 6 : i32
    %shift_left3A_323 = vector.broadcast %shift_left3A_322 : i32 to vector<1024x1024xi32>
    %shift_left3A_324 = arith.shli %xor3A_320, %shift_left3A_323 : vector<1024x1024xi32>
    %shift_right_logical3A_325 = arith.constant 26 : i32
    %shift_right_logical3A_326 = vector.broadcast %shift_right_logical3A_325 : i32 to vector<1024x1024xi32>
    %shift_right_logical3A_327 = arith.shrui %xor3A_320, %shift_right_logical3A_326 : vector<1024x1024xi32>
    %or3A_328 = arith.ori %shift_left3A_324, %shift_right_logical3A_327 : vector<1024x1024xi32>
    %xor3A_329 = arith.xori %add3A_321, %or3A_328 : vector<1024x1024xi32>
    %add3A_330 = arith.constant 42 : i32
    %add3A_331 = vector.broadcast %add3A_330 : i32 to vector<1024x1024xi32>
    %add3A_332 = arith.addi %add3A_321, %add3A_331 : vector<1024x1024xi32>
    %add3A_333 = arith.constant 466689008 : i32
    %add3A_334 = vector.broadcast %add3A_333 : i32 to vector<1024x1024xi32>
    %add3A_335 = arith.addi %xor3A_329, %add3A_334 : vector<1024x1024xi32>
    %add3A_336 = arith.constant 1 : i32
    %add3A_337 = vector.broadcast %add3A_336 : i32 to vector<1024x1024xi32>
    %add3A_338 = arith.addi %add3A_335, %add3A_337 : vector<1024x1024xi32>
    %add3A_339 = arith.addi %add3A_332, %add3A_338 : vector<1024x1024xi32>
    %shift_left3A_340 = arith.constant 17 : i32
    %shift_left3A_341 = vector.broadcast %shift_left3A_340 : i32 to vector<1024x1024xi32>
    %shift_left3A_342 = arith.shli %add3A_338, %shift_left3A_341 : vector<1024x1024xi32>
    %shift_right_logical3A_343 = arith.constant 15 : i32
    %shift_right_logical3A_344 = vector.broadcast %shift_right_logical3A_343 : i32 to vector<1024x1024xi32>
    %shift_right_logical3A_345 = arith.shrui %add3A_338, %shift_right_logical3A_344 : vector<1024x1024xi32>
    %or3A_346 = arith.ori %shift_left3A_342, %shift_right_logical3A_345 : vector<1024x1024xi32>
    %xor3A_347 = arith.xori %add3A_339, %or3A_346 : vector<1024x1024xi32>
    %add3A_348 = arith.addi %add3A_339, %xor3A_347 : vector<1024x1024xi32>
    %shift_left3A_349 = arith.constant 29 : i32
    %shift_left3A_350 = vector.broadcast %shift_left3A_349 : i32 to vector<1024x1024xi32>
    %shift_left3A_351 = arith.shli %xor3A_347, %shift_left3A_350 : vector<1024x1024xi32>
    %shift_right_logical3A_352 = arith.constant 3 : i32
    %shift_right_logical3A_353 = vector.broadcast %shift_right_logical3A_352 : i32 to vector<1024x1024xi32>
    %shift_right_logical3A_354 = arith.shrui %xor3A_347, %shift_right_logical3A_353 : vector<1024x1024xi32>
    %or3A_355 = arith.ori %shift_left3A_351, %shift_right_logical3A_354 : vector<1024x1024xi32>
    %xor3A_356 = arith.xori %add3A_348, %or3A_355 : vector<1024x1024xi32>
    %add3A_357 = arith.addi %add3A_348, %xor3A_356 : vector<1024x1024xi32>
    %shift_left3A_358 = arith.constant 16 : i32
    %shift_left3A_359 = vector.broadcast %shift_left3A_358 : i32 to vector<1024x1024xi32>
    %shift_left3A_360 = arith.shli %xor3A_356, %shift_left3A_359 : vector<1024x1024xi32>
    %shift_right_logical3A_361 = arith.constant 16 : i32
    %shift_right_logical3A_362 = vector.broadcast %shift_right_logical3A_361 : i32 to vector<1024x1024xi32>
    %shift_right_logical3A_363 = arith.shrui %xor3A_356, %shift_right_logical3A_362 : vector<1024x1024xi32>
    %or3A_364 = arith.ori %shift_left3A_360, %shift_right_logical3A_363 : vector<1024x1024xi32>
    %xor3A_365 = arith.xori %add3A_357, %or3A_364 : vector<1024x1024xi32>
    %add3A_366 = arith.addi %add3A_357, %xor3A_365 : vector<1024x1024xi32>
    %shift_left3A_367 = arith.constant 24 : i32
    %shift_left3A_368 = vector.broadcast %shift_left3A_367 : i32 to vector<1024x1024xi32>
    %shift_left3A_369 = arith.shli %xor3A_365, %shift_left3A_368 : vector<1024x1024xi32>
    %shift_right_logical3A_370 = arith.constant 8 : i32
    %shift_right_logical3A_371 = vector.broadcast %shift_right_logical3A_370 : i32 to vector<1024x1024xi32>
    %shift_right_logical3A_372 = arith.shrui %xor3A_365, %shift_right_logical3A_371 : vector<1024x1024xi32>
    %or3A_373 = arith.ori %shift_left3A_369, %shift_right_logical3A_372 : vector<1024x1024xi32>
    %xor3A_374 = arith.xori %add3A_366, %or3A_373 : vector<1024x1024xi32>
    %add3A_375 = arith.constant 466689008 : i32
    %add3A_376 = vector.broadcast %add3A_375 : i32 to vector<1024x1024xi32>
    %add3A_377 = arith.addi %add3A_366, %add3A_376 : vector<1024x1024xi32>
    %add3A_378 = arith.constant 0 : i32
    %add3A_379 = vector.broadcast %add3A_378 : i32 to vector<1024x1024xi32>
    %add3A_380 = arith.addi %xor3A_374, %add3A_379 : vector<1024x1024xi32>
    %add3A_381 = arith.constant 2 : i32
    %add3A_382 = vector.broadcast %add3A_381 : i32 to vector<1024x1024xi32>
    %add3A_383 = arith.addi %add3A_380, %add3A_382 : vector<1024x1024xi32>
    %add3A_384 = arith.addi %add3A_377, %add3A_383 : vector<1024x1024xi32>
    %shift_left3A_385 = arith.constant 13 : i32
    %shift_left3A_386 = vector.broadcast %shift_left3A_385 : i32 to vector<1024x1024xi32>
    %shift_left3A_387 = arith.shli %add3A_383, %shift_left3A_386 : vector<1024x1024xi32>
    %shift_right_logical3A_388 = arith.constant 19 : i32
    %shift_right_logical3A_389 = vector.broadcast %shift_right_logical3A_388 : i32 to vector<1024x1024xi32>
    %shift_right_logical3A_390 = arith.shrui %add3A_383, %shift_right_logical3A_389 : vector<1024x1024xi32>
    %or3A_391 = arith.ori %shift_left3A_387, %shift_right_logical3A_390 : vector<1024x1024xi32>
    %xor3A_392 = arith.xori %add3A_384, %or3A_391 : vector<1024x1024xi32>
    %add3A_393 = arith.addi %add3A_384, %xor3A_392 : vector<1024x1024xi32>
    %shift_left3A_394 = arith.constant 15 : i32
    %shift_left3A_395 = vector.broadcast %shift_left3A_394 : i32 to vector<1024x1024xi32>
    %shift_left3A_396 = arith.shli %xor3A_392, %shift_left3A_395 : vector<1024x1024xi32>
    %shift_right_logical3A_397 = arith.constant 17 : i32
    %shift_right_logical3A_398 = vector.broadcast %shift_right_logical3A_397 : i32 to vector<1024x1024xi32>
    %shift_right_logical3A_399 = arith.shrui %xor3A_392, %shift_right_logical3A_398 : vector<1024x1024xi32>
    %or3A_400 = arith.ori %shift_left3A_396, %shift_right_logical3A_399 : vector<1024x1024xi32>
    %xor3A_401 = arith.xori %add3A_393, %or3A_400 : vector<1024x1024xi32>
    %add3A_402 = arith.addi %add3A_393, %xor3A_401 : vector<1024x1024xi32>
    %shift_left3A_403 = arith.constant 26 : i32
    %shift_left3A_404 = vector.broadcast %shift_left3A_403 : i32 to vector<1024x1024xi32>
    %shift_left3A_405 = arith.shli %xor3A_401, %shift_left3A_404 : vector<1024x1024xi32>
    %shift_right_logical3A_406 = arith.constant 6 : i32
    %shift_right_logical3A_407 = vector.broadcast %shift_right_logical3A_406 : i32 to vector<1024x1024xi32>
    %shift_right_logical3A_408 = arith.shrui %xor3A_401, %shift_right_logical3A_407 : vector<1024x1024xi32>
    %or3A_409 = arith.ori %shift_left3A_405, %shift_right_logical3A_408 : vector<1024x1024xi32>
    %xor3A_410 = arith.xori %add3A_402, %or3A_409 : vector<1024x1024xi32>
    %add3A_411 = arith.addi %add3A_402, %xor3A_410 : vector<1024x1024xi32>
    %shift_left3A_412 = arith.constant 6 : i32
    %shift_left3A_413 = vector.broadcast %shift_left3A_412 : i32 to vector<1024x1024xi32>
    %shift_left3A_414 = arith.shli %xor3A_410, %shift_left3A_413 : vector<1024x1024xi32>
    %shift_right_logical3A_415 = arith.constant 26 : i32
    %shift_right_logical3A_416 = vector.broadcast %shift_right_logical3A_415 : i32 to vector<1024x1024xi32>
    %shift_right_logical3A_417 = arith.shrui %xor3A_410, %shift_right_logical3A_416 : vector<1024x1024xi32>
    %or3A_418 = arith.ori %shift_left3A_414, %shift_right_logical3A_417 : vector<1024x1024xi32>
    %xor3A_419 = arith.xori %add3A_411, %or3A_418 : vector<1024x1024xi32>
    %add3A_420 = arith.constant 0 : i32
    %add3A_421 = vector.broadcast %add3A_420 : i32 to vector<1024x1024xi32>
    %add3A_422 = arith.addi %add3A_411, %add3A_421 : vector<1024x1024xi32>
    %add3A_423 = arith.constant 42 : i32
    %add3A_424 = vector.broadcast %add3A_423 : i32 to vector<1024x1024xi32>
    %add3A_425 = arith.addi %xor3A_419, %add3A_424 : vector<1024x1024xi32>
    %add3A_426 = arith.constant 3 : i32
    %add3A_427 = vector.broadcast %add3A_426 : i32 to vector<1024x1024xi32>
    %add3A_428 = arith.addi %add3A_425, %add3A_427 : vector<1024x1024xi32>
    %add3A_429 = arith.addi %add3A_422, %add3A_428 : vector<1024x1024xi32>
    %shift_left3A_430 = arith.constant 17 : i32
    %shift_left3A_431 = vector.broadcast %shift_left3A_430 : i32 to vector<1024x1024xi32>
    %shift_left3A_432 = arith.shli %add3A_428, %shift_left3A_431 : vector<1024x1024xi32>
    %shift_right_logical3A_433 = arith.constant 15 : i32
    %shift_right_logical3A_434 = vector.broadcast %shift_right_logical3A_433 : i32 to vector<1024x1024xi32>
    %shift_right_logical3A_435 = arith.shrui %add3A_428, %shift_right_logical3A_434 : vector<1024x1024xi32>
    %or3A_436 = arith.ori %shift_left3A_432, %shift_right_logical3A_435 : vector<1024x1024xi32>
    %xor3A_437 = arith.xori %add3A_429, %or3A_436 : vector<1024x1024xi32>
    %add3A_438 = arith.addi %add3A_429, %xor3A_437 : vector<1024x1024xi32>
    %shift_left3A_439 = arith.constant 29 : i32
    %shift_left3A_440 = vector.broadcast %shift_left3A_439 : i32 to vector<1024x1024xi32>
    %shift_left3A_441 = arith.shli %xor3A_437, %shift_left3A_440 : vector<1024x1024xi32>
    %shift_right_logical3A_442 = arith.constant 3 : i32
    %shift_right_logical3A_443 = vector.broadcast %shift_right_logical3A_442 : i32 to vector<1024x1024xi32>
    %shift_right_logical3A_444 = arith.shrui %xor3A_437, %shift_right_logical3A_443 : vector<1024x1024xi32>
    %or3A_445 = arith.ori %shift_left3A_441, %shift_right_logical3A_444 : vector<1024x1024xi32>
    %xor3A_446 = arith.xori %add3A_438, %or3A_445 : vector<1024x1024xi32>
    %add3A_447 = arith.addi %add3A_438, %xor3A_446 : vector<1024x1024xi32>
    %shift_left3A_448 = arith.constant 16 : i32
    %shift_left3A_449 = vector.broadcast %shift_left3A_448 : i32 to vector<1024x1024xi32>
    %shift_left3A_450 = arith.shli %xor3A_446, %shift_left3A_449 : vector<1024x1024xi32>
    %shift_right_logical3A_451 = arith.constant 16 : i32
    %shift_right_logical3A_452 = vector.broadcast %shift_right_logical3A_451 : i32 to vector<1024x1024xi32>
    %shift_right_logical3A_453 = arith.shrui %xor3A_446, %shift_right_logical3A_452 : vector<1024x1024xi32>
    %or3A_454 = arith.ori %shift_left3A_450, %shift_right_logical3A_453 : vector<1024x1024xi32>
    %xor3A_455 = arith.xori %add3A_447, %or3A_454 : vector<1024x1024xi32>
    %add3A_456 = arith.addi %add3A_447, %xor3A_455 : vector<1024x1024xi32>
    %shift_left3A_457 = arith.constant 24 : i32
    %shift_left3A_458 = vector.broadcast %shift_left3A_457 : i32 to vector<1024x1024xi32>
    %shift_left3A_459 = arith.shli %xor3A_455, %shift_left3A_458 : vector<1024x1024xi32>
    %shift_right_logical3A_460 = arith.constant 8 : i32
    %shift_right_logical3A_461 = vector.broadcast %shift_right_logical3A_460 : i32 to vector<1024x1024xi32>
    %shift_right_logical3A_462 = arith.shrui %xor3A_455, %shift_right_logical3A_461 : vector<1024x1024xi32>
    %or3A_463 = arith.ori %shift_left3A_459, %shift_right_logical3A_462 : vector<1024x1024xi32>
    %xor3A_464 = arith.xori %add3A_456, %or3A_463 : vector<1024x1024xi32>
    %add3A_465 = arith.constant 42 : i32
    %add3A_466 = vector.broadcast %add3A_465 : i32 to vector<1024x1024xi32>
    %add3A_467 = arith.addi %add3A_456, %add3A_466 : vector<1024x1024xi32>
    %add3A_468 = arith.constant 466689008 : i32
    %add3A_469 = vector.broadcast %add3A_468 : i32 to vector<1024x1024xi32>
    %add3A_470 = arith.addi %xor3A_464, %add3A_469 : vector<1024x1024xi32>
    %add3A_471 = arith.constant 4 : i32
    %add3A_472 = vector.broadcast %add3A_471 : i32 to vector<1024x1024xi32>
    %add3A_473 = arith.addi %add3A_470, %add3A_472 : vector<1024x1024xi32>
    %add3A_474 = arith.addi %add3A_467, %add3A_473 : vector<1024x1024xi32>
    %shift_left3A_475 = arith.constant 13 : i32
    %shift_left3A_476 = vector.broadcast %shift_left3A_475 : i32 to vector<1024x1024xi32>
    %shift_left3A_477 = arith.shli %add3A_473, %shift_left3A_476 : vector<1024x1024xi32>
    %shift_right_logical3A_478 = arith.constant 19 : i32
    %shift_right_logical3A_479 = vector.broadcast %shift_right_logical3A_478 : i32 to vector<1024x1024xi32>
    %shift_right_logical3A_480 = arith.shrui %add3A_473, %shift_right_logical3A_479 : vector<1024x1024xi32>
    %or3A_481 = arith.ori %shift_left3A_477, %shift_right_logical3A_480 : vector<1024x1024xi32>
    %xor3A_482 = arith.xori %add3A_474, %or3A_481 : vector<1024x1024xi32>
    %add3A_483 = arith.addi %add3A_474, %xor3A_482 : vector<1024x1024xi32>
    %shift_left3A_484 = arith.constant 15 : i32
    %shift_left3A_485 = vector.broadcast %shift_left3A_484 : i32 to vector<1024x1024xi32>
    %shift_left3A_486 = arith.shli %xor3A_482, %shift_left3A_485 : vector<1024x1024xi32>
    %shift_right_logical3A_487 = arith.constant 17 : i32
    %shift_right_logical3A_488 = vector.broadcast %shift_right_logical3A_487 : i32 to vector<1024x1024xi32>
    %shift_right_logical3A_489 = arith.shrui %xor3A_482, %shift_right_logical3A_488 : vector<1024x1024xi32>
    %or3A_490 = arith.ori %shift_left3A_486, %shift_right_logical3A_489 : vector<1024x1024xi32>
    %xor3A_491 = arith.xori %add3A_483, %or3A_490 : vector<1024x1024xi32>
    %add3A_492 = arith.addi %add3A_483, %xor3A_491 : vector<1024x1024xi32>
    %shift_left3A_493 = arith.constant 26 : i32
    %shift_left3A_494 = vector.broadcast %shift_left3A_493 : i32 to vector<1024x1024xi32>
    %shift_left3A_495 = arith.shli %xor3A_491, %shift_left3A_494 : vector<1024x1024xi32>
    %shift_right_logical3A_496 = arith.constant 6 : i32
    %shift_right_logical3A_497 = vector.broadcast %shift_right_logical3A_496 : i32 to vector<1024x1024xi32>
    %shift_right_logical3A_498 = arith.shrui %xor3A_491, %shift_right_logical3A_497 : vector<1024x1024xi32>
    %or3A_499 = arith.ori %shift_left3A_495, %shift_right_logical3A_498 : vector<1024x1024xi32>
    %xor3A_500 = arith.xori %add3A_492, %or3A_499 : vector<1024x1024xi32>
    %add3A_501 = arith.addi %add3A_492, %xor3A_500 : vector<1024x1024xi32>
    %shift_left3A_502 = arith.constant 6 : i32
    %shift_left3A_503 = vector.broadcast %shift_left3A_502 : i32 to vector<1024x1024xi32>
    %shift_left3A_504 = arith.shli %xor3A_500, %shift_left3A_503 : vector<1024x1024xi32>
    %shift_right_logical3A_505 = arith.constant 26 : i32
    %shift_right_logical3A_506 = vector.broadcast %shift_right_logical3A_505 : i32 to vector<1024x1024xi32>
    %shift_right_logical3A_507 = arith.shrui %xor3A_500, %shift_right_logical3A_506 : vector<1024x1024xi32>
    %or3A_508 = arith.ori %shift_left3A_504, %shift_right_logical3A_507 : vector<1024x1024xi32>
    %xor3A_509 = arith.xori %add3A_501, %or3A_508 : vector<1024x1024xi32>
    %add3A_510 = arith.constant 466689008 : i32
    %add3A_511 = vector.broadcast %add3A_510 : i32 to vector<1024x1024xi32>
    %add3A_512 = arith.addi %add3A_501, %add3A_511 : vector<1024x1024xi32>
    %add3A_513 = arith.constant 0 : i32
    %add3A_514 = vector.broadcast %add3A_513 : i32 to vector<1024x1024xi32>
    %add3A_515 = arith.addi %xor3A_509, %add3A_514 : vector<1024x1024xi32>
    %add3A_516 = arith.constant 5 : i32
    %add3A_517 = vector.broadcast %add3A_516 : i32 to vector<1024x1024xi32>
    %add3A_518 = arith.addi %add3A_515, %add3A_517 : vector<1024x1024xi32>
    %xor3A_519 = arith.xori %add3A_512, %add3A_518 : vector<1024x1024xi32>
    %shift_right_logical3A_520 = arith.constant 9 : i32
    %shift_right_logical3A_521 = vector.broadcast %shift_right_logical3A_520 : i32 to vector<1024x1024xi32>
    %shift_right_logical3A_522 = arith.shrui %xor3A_519, %shift_right_logical3A_521 : vector<1024x1024xi32>
    %or3A_523 = arith.constant 1065353216 : i32
    %or3A_524 = vector.broadcast %or3A_523 : i32 to vector<1024x1024xi32>
    %or3A_525 = arith.ori %shift_right_logical3A_522, %or3A_524 : vector<1024x1024xi32>
    %bitcast_convert_type3A_526 = tpu.bitcast %or3A_525 : vector<1024x1024xi32> -> vector<1024x1024xf32>
    %sub3A_527 = arith.constant 1.000000e+00 : f32
    %sub3A_528 = vector.broadcast %sub3A_527 : f32 to vector<1024x1024xf32>
    %sub3A_529 = arith.subf %bitcast_convert_type3A_526, %sub3A_528 : vector<1024x1024xf32>
    %mul3A_530 = arith.constant 1.000000e+00 : f32
    %mul3A_531 = vector.broadcast %mul3A_530 : f32 to vector<1024x1024xf32>
    %mul3A_532 = arith.mulf %sub3A_529, %mul3A_531 : vector<1024x1024xf32>
    %add3A_533 = arith.constant 1.17549435E-38 : f32
    %add3A_534 = vector.broadcast %add3A_533 : f32 to vector<1024x1024xf32>
    %add3A_535 = arith.addf %mul3A_532, %add3A_534 : vector<1024x1024xf32>
    %max3A_536 = arith.constant 1.17549435E-38 : f32
    %max3A_537 = vector.broadcast %max3A_536 : f32 to vector<1024x1024xf32>
    %max3A_538 = arith.maximumf %max3A_537, %add3A_535 : vector<1024x1024xf32>
    %log3A_539 = math.log %max3A_538 : vector<1024x1024xf32>
    %neg3A_540 = arith.constant 0.000000e+00 : f32
    %neg3A_541 = vector.broadcast %neg3A_540 : f32 to vector<1024x1024xf32>
    %neg3A_542 = arith.subf %neg3A_541, %log3A_539 : vector<1024x1024xf32>
    %log3A_543 = math.log %neg3A_542 : vector<1024x1024xf32>
    %neg3A_544 = arith.constant 0.000000e+00 : f32
    %neg3A_545 = vector.broadcast %neg3A_544 : f32 to vector<1024x1024xf32>
    %neg3A_546 = arith.subf %neg3A_545, %log3A_543 : vector<1024x1024xf32>
    %get3A_547 = arith.constant 0 : index
    %get3A_548 = arith.constant 1024 : index
    %get3A_549 = vector.load %arg1[%get3A_547, %get3A_548] : memref<1x4096xf32, #tpu.memory_space<vmem>>, vector<1x1024xf32>
    %get3A_550 = vector.shape_cast %get3A_549 : vector<1x1024xf32> to vector<1024xf32>
    %broadcast_in_dim3A_551 = vector.shape_cast %get3A_550 : vector<1024xf32> to vector<1x1024xf32>
    %add3A_552 = vector.broadcast %broadcast_in_dim3A_551 : vector<1x1024xf32> to vector<1024x1024xf32>
    %add3A_553 = arith.addf %neg3A_546, %add3A_552 : vector<1024x1024xf32>
    %reduce_max3A_554 = arith.constant dense<0xFF800000> : vector<1024xf32>
    %reduce_max3A_555 = vector.multi_reduction <maximumf>, %add3A_553, %reduce_max3A_554 [1] : vector<1024x1024xf32> to vector<1024xf32>
    %broadcast_in_dim3A_556 = vector.shape_cast %reduce_max3A_555 : vector<1024xf32> to vector<1024x1xf32>
    %iota3A_557 = tpu.iota {dimensions = array<i32: 1>} : vector<1024x1024xi32>
    %add3A_558 = arith.constant 1024 : i32
    %add3A_559 = vector.broadcast %add3A_558 : i32 to vector<1024x1024xi32>
    %add3A_560 = arith.addi %iota3A_557, %add3A_559 : vector<1024x1024xi32>
    %eq3A_561 = vector.broadcast %broadcast_in_dim3A_556 : vector<1024x1xf32> to vector<1024x1024xf32>
    %eq3A_562 = arith.cmpf oeq, %add3A_553, %eq3A_561 : vector<1024x1024xf32>
    %jit3A_563 = arith.constant 4096 : i32
    %broadcast_in_dim3A_564 = vector.broadcast %jit3A_563 : i32 to vector<1024x1024xi32>
    %select_n3A_565 = arith.select %eq3A_562, %add3A_560, %broadcast_in_dim3A_564 : vector<1024x1024xi1>, vector<1024x1024xi32>
    %reduce_min3A_566 = arith.constant dense<2147483647> : vector<1024xi32>
    %reduce_min3A_567 = vector.multi_reduction <minsi>, %select_n3A_565, %reduce_min3A_566 [1] : vector<1024x1024xi32> to vector<1024xi32>
    %broadcast_in_dim3A_568 = vector.shape_cast %reduce_min3A_567 : vector<1024xi32> to vector<1024x1xi32>
    %gt3A = arith.cmpf ogt, %broadcast_in_dim3A_556, %broadcast_in_dim3A_268 : vector<1024x1xf32>
    %select_n3A_569 = arith.select %gt3A, %broadcast_in_dim3A_568, %broadcast_in_dim3A_276 : vector<1024x1xi1>, vector<1024x1xi32>
    %max3A_570 = arith.maximumf %broadcast_in_dim3A_556, %broadcast_in_dim3A_268 : vector<1024x1xf32>
    %add3A_571 = vector.broadcast %mul3A_0 : i32 to vector<1024x1024xi32>
    %add3A_572 = arith.addi %add3A_571, %iota3A : vector<1024x1024xi32>
    %mul3A_573 = arith.constant 4096 : i32
    %mul3A_574 = vector.broadcast %mul3A_573 : i32 to vector<1024x1024xi32>
    %mul3A_575 = arith.muli %add3A_572, %mul3A_574 : vector<1024x1024xi32>
    %add3A_576 = arith.addi %mul3A_575, %iota3A_1 : vector<1024x1024xi32>
    %add3A_577 = arith.constant 2048 : i32
    %add3A_578 = vector.broadcast %add3A_577 : i32 to vector<1024x1024xi32>
    %add3A_579 = arith.addi %add3A_576, %add3A_578 : vector<1024x1024xi32>
    %broadcast_in_dim3A_580 = arith.constant 0 : i32
    %broadcast_in_dim3A_581 = vector.broadcast %broadcast_in_dim3A_580 : i32 to vector<1024x1024xi32>
    %add3A_582 = arith.constant 0 : i32
    %add3A_583 = vector.broadcast %add3A_582 : i32 to vector<1024x1024xi32>
    %add3A_584 = arith.addi %broadcast_in_dim3A_581, %add3A_583 : vector<1024x1024xi32>
    %add3A_585 = arith.constant 42 : i32
    %add3A_586 = vector.broadcast %add3A_585 : i32 to vector<1024x1024xi32>
    %add3A_587 = arith.addi %add3A_579, %add3A_586 : vector<1024x1024xi32>
    %add3A_588 = arith.addi %add3A_584, %add3A_587 : vector<1024x1024xi32>
    %shift_left3A_589 = arith.constant 13 : i32
    %shift_left3A_590 = vector.broadcast %shift_left3A_589 : i32 to vector<1024x1024xi32>
    %shift_left3A_591 = arith.shli %add3A_587, %shift_left3A_590 : vector<1024x1024xi32>
    %shift_right_logical3A_592 = arith.constant 19 : i32
    %shift_right_logical3A_593 = vector.broadcast %shift_right_logical3A_592 : i32 to vector<1024x1024xi32>
    %shift_right_logical3A_594 = arith.shrui %add3A_587, %shift_right_logical3A_593 : vector<1024x1024xi32>
    %or3A_595 = arith.ori %shift_left3A_591, %shift_right_logical3A_594 : vector<1024x1024xi32>
    %xor3A_596 = arith.xori %add3A_588, %or3A_595 : vector<1024x1024xi32>
    %add3A_597 = arith.addi %add3A_588, %xor3A_596 : vector<1024x1024xi32>
    %shift_left3A_598 = arith.constant 15 : i32
    %shift_left3A_599 = vector.broadcast %shift_left3A_598 : i32 to vector<1024x1024xi32>
    %shift_left3A_600 = arith.shli %xor3A_596, %shift_left3A_599 : vector<1024x1024xi32>
    %shift_right_logical3A_601 = arith.constant 17 : i32
    %shift_right_logical3A_602 = vector.broadcast %shift_right_logical3A_601 : i32 to vector<1024x1024xi32>
    %shift_right_logical3A_603 = arith.shrui %xor3A_596, %shift_right_logical3A_602 : vector<1024x1024xi32>
    %or3A_604 = arith.ori %shift_left3A_600, %shift_right_logical3A_603 : vector<1024x1024xi32>
    %xor3A_605 = arith.xori %add3A_597, %or3A_604 : vector<1024x1024xi32>
    %add3A_606 = arith.addi %add3A_597, %xor3A_605 : vector<1024x1024xi32>
    %shift_left3A_607 = arith.constant 26 : i32
    %shift_left3A_608 = vector.broadcast %shift_left3A_607 : i32 to vector<1024x1024xi32>
    %shift_left3A_609 = arith.shli %xor3A_605, %shift_left3A_608 : vector<1024x1024xi32>
    %shift_right_logical3A_610 = arith.constant 6 : i32
    %shift_right_logical3A_611 = vector.broadcast %shift_right_logical3A_610 : i32 to vector<1024x1024xi32>
    %shift_right_logical3A_612 = arith.shrui %xor3A_605, %shift_right_logical3A_611 : vector<1024x1024xi32>
    %or3A_613 = arith.ori %shift_left3A_609, %shift_right_logical3A_612 : vector<1024x1024xi32>
    %xor3A_614 = arith.xori %add3A_606, %or3A_613 : vector<1024x1024xi32>
    %add3A_615 = arith.addi %add3A_606, %xor3A_614 : vector<1024x1024xi32>
    %shift_left3A_616 = arith.constant 6 : i32
    %shift_left3A_617 = vector.broadcast %shift_left3A_616 : i32 to vector<1024x1024xi32>
    %shift_left3A_618 = arith.shli %xor3A_614, %shift_left3A_617 : vector<1024x1024xi32>
    %shift_right_logical3A_619 = arith.constant 26 : i32
    %shift_right_logical3A_620 = vector.broadcast %shift_right_logical3A_619 : i32 to vector<1024x1024xi32>
    %shift_right_logical3A_621 = arith.shrui %xor3A_614, %shift_right_logical3A_620 : vector<1024x1024xi32>
    %or3A_622 = arith.ori %shift_left3A_618, %shift_right_logical3A_621 : vector<1024x1024xi32>
    %xor3A_623 = arith.xori %add3A_615, %or3A_622 : vector<1024x1024xi32>
    %add3A_624 = arith.constant 42 : i32
    %add3A_625 = vector.broadcast %add3A_624 : i32 to vector<1024x1024xi32>
    %add3A_626 = arith.addi %add3A_615, %add3A_625 : vector<1024x1024xi32>
    %add3A_627 = arith.constant 466689008 : i32
    %add3A_628 = vector.broadcast %add3A_627 : i32 to vector<1024x1024xi32>
    %add3A_629 = arith.addi %xor3A_623, %add3A_628 : vector<1024x1024xi32>
    %add3A_630 = arith.constant 1 : i32
    %add3A_631 = vector.broadcast %add3A_630 : i32 to vector<1024x1024xi32>
    %add3A_632 = arith.addi %add3A_629, %add3A_631 : vector<1024x1024xi32>
    %add3A_633 = arith.addi %add3A_626, %add3A_632 : vector<1024x1024xi32>
    %shift_left3A_634 = arith.constant 17 : i32
    %shift_left3A_635 = vector.broadcast %shift_left3A_634 : i32 to vector<1024x1024xi32>
    %shift_left3A_636 = arith.shli %add3A_632, %shift_left3A_635 : vector<1024x1024xi32>
    %shift_right_logical3A_637 = arith.constant 15 : i32
    %shift_right_logical3A_638 = vector.broadcast %shift_right_logical3A_637 : i32 to vector<1024x1024xi32>
    %shift_right_logical3A_639 = arith.shrui %add3A_632, %shift_right_logical3A_638 : vector<1024x1024xi32>
    %or3A_640 = arith.ori %shift_left3A_636, %shift_right_logical3A_639 : vector<1024x1024xi32>
    %xor3A_641 = arith.xori %add3A_633, %or3A_640 : vector<1024x1024xi32>
    %add3A_642 = arith.addi %add3A_633, %xor3A_641 : vector<1024x1024xi32>
    %shift_left3A_643 = arith.constant 29 : i32
    %shift_left3A_644 = vector.broadcast %shift_left3A_643 : i32 to vector<1024x1024xi32>
    %shift_left3A_645 = arith.shli %xor3A_641, %shift_left3A_644 : vector<1024x1024xi32>
    %shift_right_logical3A_646 = arith.constant 3 : i32
    %shift_right_logical3A_647 = vector.broadcast %shift_right_logical3A_646 : i32 to vector<1024x1024xi32>
    %shift_right_logical3A_648 = arith.shrui %xor3A_641, %shift_right_logical3A_647 : vector<1024x1024xi32>
    %or3A_649 = arith.ori %shift_left3A_645, %shift_right_logical3A_648 : vector<1024x1024xi32>
    %xor3A_650 = arith.xori %add3A_642, %or3A_649 : vector<1024x1024xi32>
    %add3A_651 = arith.addi %add3A_642, %xor3A_650 : vector<1024x1024xi32>
    %shift_left3A_652 = arith.constant 16 : i32
    %shift_left3A_653 = vector.broadcast %shift_left3A_652 : i32 to vector<1024x1024xi32>
    %shift_left3A_654 = arith.shli %xor3A_650, %shift_left3A_653 : vector<1024x1024xi32>
    %shift_right_logical3A_655 = arith.constant 16 : i32
    %shift_right_logical3A_656 = vector.broadcast %shift_right_logical3A_655 : i32 to vector<1024x1024xi32>
    %shift_right_logical3A_657 = arith.shrui %xor3A_650, %shift_right_logical3A_656 : vector<1024x1024xi32>
    %or3A_658 = arith.ori %shift_left3A_654, %shift_right_logical3A_657 : vector<1024x1024xi32>
    %xor3A_659 = arith.xori %add3A_651, %or3A_658 : vector<1024x1024xi32>
    %add3A_660 = arith.addi %add3A_651, %xor3A_659 : vector<1024x1024xi32>
    %shift_left3A_661 = arith.constant 24 : i32
    %shift_left3A_662 = vector.broadcast %shift_left3A_661 : i32 to vector<1024x1024xi32>
    %shift_left3A_663 = arith.shli %xor3A_659, %shift_left3A_662 : vector<1024x1024xi32>
    %shift_right_logical3A_664 = arith.constant 8 : i32
    %shift_right_logical3A_665 = vector.broadcast %shift_right_logical3A_664 : i32 to vector<1024x1024xi32>
    %shift_right_logical3A_666 = arith.shrui %xor3A_659, %shift_right_logical3A_665 : vector<1024x1024xi32>
    %or3A_667 = arith.ori %shift_left3A_663, %shift_right_logical3A_666 : vector<1024x1024xi32>
    %xor3A_668 = arith.xori %add3A_660, %or3A_667 : vector<1024x1024xi32>
    %add3A_669 = arith.constant 466689008 : i32
    %add3A_670 = vector.broadcast %add3A_669 : i32 to vector<1024x1024xi32>
    %add3A_671 = arith.addi %add3A_660, %add3A_670 : vector<1024x1024xi32>
    %add3A_672 = arith.constant 0 : i32
    %add3A_673 = vector.broadcast %add3A_672 : i32 to vector<1024x1024xi32>
    %add3A_674 = arith.addi %xor3A_668, %add3A_673 : vector<1024x1024xi32>
    %add3A_675 = arith.constant 2 : i32
    %add3A_676 = vector.broadcast %add3A_675 : i32 to vector<1024x1024xi32>
    %add3A_677 = arith.addi %add3A_674, %add3A_676 : vector<1024x1024xi32>
    %add3A_678 = arith.addi %add3A_671, %add3A_677 : vector<1024x1024xi32>
    %shift_left3A_679 = arith.constant 13 : i32
    %shift_left3A_680 = vector.broadcast %shift_left3A_679 : i32 to vector<1024x1024xi32>
    %shift_left3A_681 = arith.shli %add3A_677, %shift_left3A_680 : vector<1024x1024xi32>
    %shift_right_logical3A_682 = arith.constant 19 : i32
    %shift_right_logical3A_683 = vector.broadcast %shift_right_logical3A_682 : i32 to vector<1024x1024xi32>
    %shift_right_logical3A_684 = arith.shrui %add3A_677, %shift_right_logical3A_683 : vector<1024x1024xi32>
    %or3A_685 = arith.ori %shift_left3A_681, %shift_right_logical3A_684 : vector<1024x1024xi32>
    %xor3A_686 = arith.xori %add3A_678, %or3A_685 : vector<1024x1024xi32>
    %add3A_687 = arith.addi %add3A_678, %xor3A_686 : vector<1024x1024xi32>
    %shift_left3A_688 = arith.constant 15 : i32
    %shift_left3A_689 = vector.broadcast %shift_left3A_688 : i32 to vector<1024x1024xi32>
    %shift_left3A_690 = arith.shli %xor3A_686, %shift_left3A_689 : vector<1024x1024xi32>
    %shift_right_logical3A_691 = arith.constant 17 : i32
    %shift_right_logical3A_692 = vector.broadcast %shift_right_logical3A_691 : i32 to vector<1024x1024xi32>
    %shift_right_logical3A_693 = arith.shrui %xor3A_686, %shift_right_logical3A_692 : vector<1024x1024xi32>
    %or3A_694 = arith.ori %shift_left3A_690, %shift_right_logical3A_693 : vector<1024x1024xi32>
    %xor3A_695 = arith.xori %add3A_687, %or3A_694 : vector<1024x1024xi32>
    %add3A_696 = arith.addi %add3A_687, %xor3A_695 : vector<1024x1024xi32>
    %shift_left3A_697 = arith.constant 26 : i32
    %shift_left3A_698 = vector.broadcast %shift_left3A_697 : i32 to vector<1024x1024xi32>
    %shift_left3A_699 = arith.shli %xor3A_695, %shift_left3A_698 : vector<1024x1024xi32>
    %shift_right_logical3A_700 = arith.constant 6 : i32
    %shift_right_logical3A_701 = vector.broadcast %shift_right_logical3A_700 : i32 to vector<1024x1024xi32>
    %shift_right_logical3A_702 = arith.shrui %xor3A_695, %shift_right_logical3A_701 : vector<1024x1024xi32>
    %or3A_703 = arith.ori %shift_left3A_699, %shift_right_logical3A_702 : vector<1024x1024xi32>
    %xor3A_704 = arith.xori %add3A_696, %or3A_703 : vector<1024x1024xi32>
    %add3A_705 = arith.addi %add3A_696, %xor3A_704 : vector<1024x1024xi32>
    %shift_left3A_706 = arith.constant 6 : i32
    %shift_left3A_707 = vector.broadcast %shift_left3A_706 : i32 to vector<1024x1024xi32>
    %shift_left3A_708 = arith.shli %xor3A_704, %shift_left3A_707 : vector<1024x1024xi32>
    %shift_right_logical3A_709 = arith.constant 26 : i32
    %shift_right_logical3A_710 = vector.broadcast %shift_right_logical3A_709 : i32 to vector<1024x1024xi32>
    %shift_right_logical3A_711 = arith.shrui %xor3A_704, %shift_right_logical3A_710 : vector<1024x1024xi32>
    %or3A_712 = arith.ori %shift_left3A_708, %shift_right_logical3A_711 : vector<1024x1024xi32>
    %xor3A_713 = arith.xori %add3A_705, %or3A_712 : vector<1024x1024xi32>
    %add3A_714 = arith.constant 0 : i32
    %add3A_715 = vector.broadcast %add3A_714 : i32 to vector<1024x1024xi32>
    %add3A_716 = arith.addi %add3A_705, %add3A_715 : vector<1024x1024xi32>
    %add3A_717 = arith.constant 42 : i32
    %add3A_718 = vector.broadcast %add3A_717 : i32 to vector<1024x1024xi32>
    %add3A_719 = arith.addi %xor3A_713, %add3A_718 : vector<1024x1024xi32>
    %add3A_720 = arith.constant 3 : i32
    %add3A_721 = vector.broadcast %add3A_720 : i32 to vector<1024x1024xi32>
    %add3A_722 = arith.addi %add3A_719, %add3A_721 : vector<1024x1024xi32>
    %add3A_723 = arith.addi %add3A_716, %add3A_722 : vector<1024x1024xi32>
    %shift_left3A_724 = arith.constant 17 : i32
    %shift_left3A_725 = vector.broadcast %shift_left3A_724 : i32 to vector<1024x1024xi32>
    %shift_left3A_726 = arith.shli %add3A_722, %shift_left3A_725 : vector<1024x1024xi32>
    %shift_right_logical3A_727 = arith.constant 15 : i32
    %shift_right_logical3A_728 = vector.broadcast %shift_right_logical3A_727 : i32 to vector<1024x1024xi32>
    %shift_right_logical3A_729 = arith.shrui %add3A_722, %shift_right_logical3A_728 : vector<1024x1024xi32>
    %or3A_730 = arith.ori %shift_left3A_726, %shift_right_logical3A_729 : vector<1024x1024xi32>
    %xor3A_731 = arith.xori %add3A_723, %or3A_730 : vector<1024x1024xi32>
    %add3A_732 = arith.addi %add3A_723, %xor3A_731 : vector<1024x1024xi32>
    %shift_left3A_733 = arith.constant 29 : i32
    %shift_left3A_734 = vector.broadcast %shift_left3A_733 : i32 to vector<1024x1024xi32>
    %shift_left3A_735 = arith.shli %xor3A_731, %shift_left3A_734 : vector<1024x1024xi32>
    %shift_right_logical3A_736 = arith.constant 3 : i32
    %shift_right_logical3A_737 = vector.broadcast %shift_right_logical3A_736 : i32 to vector<1024x1024xi32>
    %shift_right_logical3A_738 = arith.shrui %xor3A_731, %shift_right_logical3A_737 : vector<1024x1024xi32>
    %or3A_739 = arith.ori %shift_left3A_735, %shift_right_logical3A_738 : vector<1024x1024xi32>
    %xor3A_740 = arith.xori %add3A_732, %or3A_739 : vector<1024x1024xi32>
    %add3A_741 = arith.addi %add3A_732, %xor3A_740 : vector<1024x1024xi32>
    %shift_left3A_742 = arith.constant 16 : i32
    %shift_left3A_743 = vector.broadcast %shift_left3A_742 : i32 to vector<1024x1024xi32>
    %shift_left3A_744 = arith.shli %xor3A_740, %shift_left3A_743 : vector<1024x1024xi32>
    %shift_right_logical3A_745 = arith.constant 16 : i32
    %shift_right_logical3A_746 = vector.broadcast %shift_right_logical3A_745 : i32 to vector<1024x1024xi32>
    %shift_right_logical3A_747 = arith.shrui %xor3A_740, %shift_right_logical3A_746 : vector<1024x1024xi32>
    %or3A_748 = arith.ori %shift_left3A_744, %shift_right_logical3A_747 : vector<1024x1024xi32>
    %xor3A_749 = arith.xori %add3A_741, %or3A_748 : vector<1024x1024xi32>
    %add3A_750 = arith.addi %add3A_741, %xor3A_749 : vector<1024x1024xi32>
    %shift_left3A_751 = arith.constant 24 : i32
    %shift_left3A_752 = vector.broadcast %shift_left3A_751 : i32 to vector<1024x1024xi32>
    %shift_left3A_753 = arith.shli %xor3A_749, %shift_left3A_752 : vector<1024x1024xi32>
    %shift_right_logical3A_754 = arith.constant 8 : i32
    %shift_right_logical3A_755 = vector.broadcast %shift_right_logical3A_754 : i32 to vector<1024x1024xi32>
    %shift_right_logical3A_756 = arith.shrui %xor3A_749, %shift_right_logical3A_755 : vector<1024x1024xi32>
    %or3A_757 = arith.ori %shift_left3A_753, %shift_right_logical3A_756 : vector<1024x1024xi32>
    %xor3A_758 = arith.xori %add3A_750, %or3A_757 : vector<1024x1024xi32>
    %add3A_759 = arith.constant 42 : i32
    %add3A_760 = vector.broadcast %add3A_759 : i32 to vector<1024x1024xi32>
    %add3A_761 = arith.addi %add3A_750, %add3A_760 : vector<1024x1024xi32>
    %add3A_762 = arith.constant 466689008 : i32
    %add3A_763 = vector.broadcast %add3A_762 : i32 to vector<1024x1024xi32>
    %add3A_764 = arith.addi %xor3A_758, %add3A_763 : vector<1024x1024xi32>
    %add3A_765 = arith.constant 4 : i32
    %add3A_766 = vector.broadcast %add3A_765 : i32 to vector<1024x1024xi32>
    %add3A_767 = arith.addi %add3A_764, %add3A_766 : vector<1024x1024xi32>
    %add3A_768 = arith.addi %add3A_761, %add3A_767 : vector<1024x1024xi32>
    %shift_left3A_769 = arith.constant 13 : i32
    %shift_left3A_770 = vector.broadcast %shift_left3A_769 : i32 to vector<1024x1024xi32>
    %shift_left3A_771 = arith.shli %add3A_767, %shift_left3A_770 : vector<1024x1024xi32>
    %shift_right_logical3A_772 = arith.constant 19 : i32
    %shift_right_logical3A_773 = vector.broadcast %shift_right_logical3A_772 : i32 to vector<1024x1024xi32>
    %shift_right_logical3A_774 = arith.shrui %add3A_767, %shift_right_logical3A_773 : vector<1024x1024xi32>
    %or3A_775 = arith.ori %shift_left3A_771, %shift_right_logical3A_774 : vector<1024x1024xi32>
    %xor3A_776 = arith.xori %add3A_768, %or3A_775 : vector<1024x1024xi32>
    %add3A_777 = arith.addi %add3A_768, %xor3A_776 : vector<1024x1024xi32>
    %shift_left3A_778 = arith.constant 15 : i32
    %shift_left3A_779 = vector.broadcast %shift_left3A_778 : i32 to vector<1024x1024xi32>
    %shift_left3A_780 = arith.shli %xor3A_776, %shift_left3A_779 : vector<1024x1024xi32>
    %shift_right_logical3A_781 = arith.constant 17 : i32
    %shift_right_logical3A_782 = vector.broadcast %shift_right_logical3A_781 : i32 to vector<1024x1024xi32>
    %shift_right_logical3A_783 = arith.shrui %xor3A_776, %shift_right_logical3A_782 : vector<1024x1024xi32>
    %or3A_784 = arith.ori %shift_left3A_780, %shift_right_logical3A_783 : vector<1024x1024xi32>
    %xor3A_785 = arith.xori %add3A_777, %or3A_784 : vector<1024x1024xi32>
    %add3A_786 = arith.addi %add3A_777, %xor3A_785 : vector<1024x1024xi32>
    %shift_left3A_787 = arith.constant 26 : i32
    %shift_left3A_788 = vector.broadcast %shift_left3A_787 : i32 to vector<1024x1024xi32>
    %shift_left3A_789 = arith.shli %xor3A_785, %shift_left3A_788 : vector<1024x1024xi32>
    %shift_right_logical3A_790 = arith.constant 6 : i32
    %shift_right_logical3A_791 = vector.broadcast %shift_right_logical3A_790 : i32 to vector<1024x1024xi32>
    %shift_right_logical3A_792 = arith.shrui %xor3A_785, %shift_right_logical3A_791 : vector<1024x1024xi32>
    %or3A_793 = arith.ori %shift_left3A_789, %shift_right_logical3A_792 : vector<1024x1024xi32>
    %xor3A_794 = arith.xori %add3A_786, %or3A_793 : vector<1024x1024xi32>
    %add3A_795 = arith.addi %add3A_786, %xor3A_794 : vector<1024x1024xi32>
    %shift_left3A_796 = arith.constant 6 : i32
    %shift_left3A_797 = vector.broadcast %shift_left3A_796 : i32 to vector<1024x1024xi32>
    %shift_left3A_798 = arith.shli %xor3A_794, %shift_left3A_797 : vector<1024x1024xi32>
    %shift_right_logical3A_799 = arith.constant 26 : i32
    %shift_right_logical3A_800 = vector.broadcast %shift_right_logical3A_799 : i32 to vector<1024x1024xi32>
    %shift_right_logical3A_801 = arith.shrui %xor3A_794, %shift_right_logical3A_800 : vector<1024x1024xi32>
    %or3A_802 = arith.ori %shift_left3A_798, %shift_right_logical3A_801 : vector<1024x1024xi32>
    %xor3A_803 = arith.xori %add3A_795, %or3A_802 : vector<1024x1024xi32>
    %add3A_804 = arith.constant 466689008 : i32
    %add3A_805 = vector.broadcast %add3A_804 : i32 to vector<1024x1024xi32>
    %add3A_806 = arith.addi %add3A_795, %add3A_805 : vector<1024x1024xi32>
    %add3A_807 = arith.constant 0 : i32
    %add3A_808 = vector.broadcast %add3A_807 : i32 to vector<1024x1024xi32>
    %add3A_809 = arith.addi %xor3A_803, %add3A_808 : vector<1024x1024xi32>
    %add3A_810 = arith.constant 5 : i32
    %add3A_811 = vector.broadcast %add3A_810 : i32 to vector<1024x1024xi32>
    %add3A_812 = arith.addi %add3A_809, %add3A_811 : vector<1024x1024xi32>
    %xor3A_813 = arith.xori %add3A_806, %add3A_812 : vector<1024x1024xi32>
    %shift_right_logical3A_814 = arith.constant 9 : i32
    %shift_right_logical3A_815 = vector.broadcast %shift_right_logical3A_814 : i32 to vector<1024x1024xi32>
    %shift_right_logical3A_816 = arith.shrui %xor3A_813, %shift_right_logical3A_815 : vector<1024x1024xi32>
    %or3A_817 = arith.constant 1065353216 : i32
    %or3A_818 = vector.broadcast %or3A_817 : i32 to vector<1024x1024xi32>
    %or3A_819 = arith.ori %shift_right_logical3A_816, %or3A_818 : vector<1024x1024xi32>
    %bitcast_convert_type3A_820 = tpu.bitcast %or3A_819 : vector<1024x1024xi32> -> vector<1024x1024xf32>
    %sub3A_821 = arith.constant 1.000000e+00 : f32
    %sub3A_822 = vector.broadcast %sub3A_821 : f32 to vector<1024x1024xf32>
    %sub3A_823 = arith.subf %bitcast_convert_type3A_820, %sub3A_822 : vector<1024x1024xf32>
    %mul3A_824 = arith.constant 1.000000e+00 : f32
    %mul3A_825 = vector.broadcast %mul3A_824 : f32 to vector<1024x1024xf32>
    %mul3A_826 = arith.mulf %sub3A_823, %mul3A_825 : vector<1024x1024xf32>
    %add3A_827 = arith.constant 1.17549435E-38 : f32
    %add3A_828 = vector.broadcast %add3A_827 : f32 to vector<1024x1024xf32>
    %add3A_829 = arith.addf %mul3A_826, %add3A_828 : vector<1024x1024xf32>
    %max3A_830 = arith.constant 1.17549435E-38 : f32
    %max3A_831 = vector.broadcast %max3A_830 : f32 to vector<1024x1024xf32>
    %max3A_832 = arith.maximumf %max3A_831, %add3A_829 : vector<1024x1024xf32>
    %log3A_833 = math.log %max3A_832 : vector<1024x1024xf32>
    %neg3A_834 = arith.constant 0.000000e+00 : f32
    %neg3A_835 = vector.broadcast %neg3A_834 : f32 to vector<1024x1024xf32>
    %neg3A_836 = arith.subf %neg3A_835, %log3A_833 : vector<1024x1024xf32>
    %log3A_837 = math.log %neg3A_836 : vector<1024x1024xf32>
    %neg3A_838 = arith.constant 0.000000e+00 : f32
    %neg3A_839 = vector.broadcast %neg3A_838 : f32 to vector<1024x1024xf32>
    %neg3A_840 = arith.subf %neg3A_839, %log3A_837 : vector<1024x1024xf32>
    %get3A_841 = arith.constant 0 : index
    %get3A_842 = arith.constant 2048 : index
    %get3A_843 = vector.load %arg1[%get3A_841, %get3A_842] : memref<1x4096xf32, #tpu.memory_space<vmem>>, vector<1x1024xf32>
    %get3A_844 = vector.shape_cast %get3A_843 : vector<1x1024xf32> to vector<1024xf32>
    %broadcast_in_dim3A_845 = vector.shape_cast %get3A_844 : vector<1024xf32> to vector<1x1024xf32>
    %add3A_846 = vector.broadcast %broadcast_in_dim3A_845 : vector<1x1024xf32> to vector<1024x1024xf32>
    %add3A_847 = arith.addf %neg3A_840, %add3A_846 : vector<1024x1024xf32>
    %reduce_max3A_848 = arith.constant dense<0xFF800000> : vector<1024xf32>
    %reduce_max3A_849 = vector.multi_reduction <maximumf>, %add3A_847, %reduce_max3A_848 [1] : vector<1024x1024xf32> to vector<1024xf32>
    %broadcast_in_dim3A_850 = vector.shape_cast %reduce_max3A_849 : vector<1024xf32> to vector<1024x1xf32>
    %iota3A_851 = tpu.iota {dimensions = array<i32: 1>} : vector<1024x1024xi32>
    %add3A_852 = arith.constant 2048 : i32
    %add3A_853 = vector.broadcast %add3A_852 : i32 to vector<1024x1024xi32>
    %add3A_854 = arith.addi %iota3A_851, %add3A_853 : vector<1024x1024xi32>
    %eq3A_855 = vector.broadcast %broadcast_in_dim3A_850 : vector<1024x1xf32> to vector<1024x1024xf32>
    %eq3A_856 = arith.cmpf oeq, %add3A_847, %eq3A_855 : vector<1024x1024xf32>
    %jit3A_857 = arith.constant 4096 : i32
    %broadcast_in_dim3A_858 = vector.broadcast %jit3A_857 : i32 to vector<1024x1024xi32>
    %select_n3A_859 = arith.select %eq3A_856, %add3A_854, %broadcast_in_dim3A_858 : vector<1024x1024xi1>, vector<1024x1024xi32>
    %reduce_min3A_860 = arith.constant dense<2147483647> : vector<1024xi32>
    %reduce_min3A_861 = vector.multi_reduction <minsi>, %select_n3A_859, %reduce_min3A_860 [1] : vector<1024x1024xi32> to vector<1024xi32>
    %broadcast_in_dim3A_862 = vector.shape_cast %reduce_min3A_861 : vector<1024xi32> to vector<1024x1xi32>
    %gt3A_863 = arith.cmpf ogt, %broadcast_in_dim3A_850, %max3A_570 : vector<1024x1xf32>
    %select_n3A_864 = arith.select %gt3A_863, %broadcast_in_dim3A_862, %select_n3A_569 : vector<1024x1xi1>, vector<1024x1xi32>
    %max3A_865 = arith.maximumf %broadcast_in_dim3A_850, %max3A_570 : vector<1024x1xf32>
    %add3A_866 = vector.broadcast %mul3A_0 : i32 to vector<1024x1024xi32>
    %add3A_867 = arith.addi %add3A_866, %iota3A : vector<1024x1024xi32>
    %mul3A_868 = arith.constant 4096 : i32
    %mul3A_869 = vector.broadcast %mul3A_868 : i32 to vector<1024x1024xi32>
    %mul3A_870 = arith.muli %add3A_867, %mul3A_869 : vector<1024x1024xi32>
    %add3A_871 = arith.addi %mul3A_870, %iota3A_1 : vector<1024x1024xi32>
    %add3A_872 = arith.constant 3072 : i32
    %add3A_873 = vector.broadcast %add3A_872 : i32 to vector<1024x1024xi32>
    %add3A_874 = arith.addi %add3A_871, %add3A_873 : vector<1024x1024xi32>
    %broadcast_in_dim3A_875 = arith.constant 0 : i32
    %broadcast_in_dim3A_876 = vector.broadcast %broadcast_in_dim3A_875 : i32 to vector<1024x1024xi32>
    %add3A_877 = arith.constant 0 : i32
    %add3A_878 = vector.broadcast %add3A_877 : i32 to vector<1024x1024xi32>
    %add3A_879 = arith.addi %broadcast_in_dim3A_876, %add3A_878 : vector<1024x1024xi32>
    %add3A_880 = arith.constant 42 : i32
    %add3A_881 = vector.broadcast %add3A_880 : i32 to vector<1024x1024xi32>
    %add3A_882 = arith.addi %add3A_874, %add3A_881 : vector<1024x1024xi32>
    %add3A_883 = arith.addi %add3A_879, %add3A_882 : vector<1024x1024xi32>
    %shift_left3A_884 = arith.constant 13 : i32
    %shift_left3A_885 = vector.broadcast %shift_left3A_884 : i32 to vector<1024x1024xi32>
    %shift_left3A_886 = arith.shli %add3A_882, %shift_left3A_885 : vector<1024x1024xi32>
    %shift_right_logical3A_887 = arith.constant 19 : i32
    %shift_right_logical3A_888 = vector.broadcast %shift_right_logical3A_887 : i32 to vector<1024x1024xi32>
    %shift_right_logical3A_889 = arith.shrui %add3A_882, %shift_right_logical3A_888 : vector<1024x1024xi32>
    %or3A_890 = arith.ori %shift_left3A_886, %shift_right_logical3A_889 : vector<1024x1024xi32>
    %xor3A_891 = arith.xori %add3A_883, %or3A_890 : vector<1024x1024xi32>
    %add3A_892 = arith.addi %add3A_883, %xor3A_891 : vector<1024x1024xi32>
    %shift_left3A_893 = arith.constant 15 : i32
    %shift_left3A_894 = vector.broadcast %shift_left3A_893 : i32 to vector<1024x1024xi32>
    %shift_left3A_895 = arith.shli %xor3A_891, %shift_left3A_894 : vector<1024x1024xi32>
    %shift_right_logical3A_896 = arith.constant 17 : i32
    %shift_right_logical3A_897 = vector.broadcast %shift_right_logical3A_896 : i32 to vector<1024x1024xi32>
    %shift_right_logical3A_898 = arith.shrui %xor3A_891, %shift_right_logical3A_897 : vector<1024x1024xi32>
    %or3A_899 = arith.ori %shift_left3A_895, %shift_right_logical3A_898 : vector<1024x1024xi32>
    %xor3A_900 = arith.xori %add3A_892, %or3A_899 : vector<1024x1024xi32>
    %add3A_901 = arith.addi %add3A_892, %xor3A_900 : vector<1024x1024xi32>
    %shift_left3A_902 = arith.constant 26 : i32
    %shift_left3A_903 = vector.broadcast %shift_left3A_902 : i32 to vector<1024x1024xi32>
    %shift_left3A_904 = arith.shli %xor3A_900, %shift_left3A_903 : vector<1024x1024xi32>
    %shift_right_logical3A_905 = arith.constant 6 : i32
    %shift_right_logical3A_906 = vector.broadcast %shift_right_logical3A_905 : i32 to vector<1024x1024xi32>
    %shift_right_logical3A_907 = arith.shrui %xor3A_900, %shift_right_logical3A_906 : vector<1024x1024xi32>
    %or3A_908 = arith.ori %shift_left3A_904, %shift_right_logical3A_907 : vector<1024x1024xi32>
    %xor3A_909 = arith.xori %add3A_901, %or3A_908 : vector<1024x1024xi32>
    %add3A_910 = arith.addi %add3A_901, %xor3A_909 : vector<1024x1024xi32>
    %shift_left3A_911 = arith.constant 6 : i32
    %shift_left3A_912 = vector.broadcast %shift_left3A_911 : i32 to vector<1024x1024xi32>
    %shift_left3A_913 = arith.shli %xor3A_909, %shift_left3A_912 : vector<1024x1024xi32>
    %shift_right_logical3A_914 = arith.constant 26 : i32
    %shift_right_logical3A_915 = vector.broadcast %shift_right_logical3A_914 : i32 to vector<1024x1024xi32>
    %shift_right_logical3A_916 = arith.shrui %xor3A_909, %shift_right_logical3A_915 : vector<1024x1024xi32>
    %or3A_917 = arith.ori %shift_left3A_913, %shift_right_logical3A_916 : vector<1024x1024xi32>
    %xor3A_918 = arith.xori %add3A_910, %or3A_917 : vector<1024x1024xi32>
    %add3A_919 = arith.constant 42 : i32
    %add3A_920 = vector.broadcast %add3A_919 : i32 to vector<1024x1024xi32>
    %add3A_921 = arith.addi %add3A_910, %add3A_920 : vector<1024x1024xi32>
    %add3A_922 = arith.constant 466689008 : i32
    %add3A_923 = vector.broadcast %add3A_922 : i32 to vector<1024x1024xi32>
    %add3A_924 = arith.addi %xor3A_918, %add3A_923 : vector<1024x1024xi32>
    %add3A_925 = arith.constant 1 : i32
    %add3A_926 = vector.broadcast %add3A_925 : i32 to vector<1024x1024xi32>
    %add3A_927 = arith.addi %add3A_924, %add3A_926 : vector<1024x1024xi32>
    %add3A_928 = arith.addi %add3A_921, %add3A_927 : vector<1024x1024xi32>
    %shift_left3A_929 = arith.constant 17 : i32
    %shift_left3A_930 = vector.broadcast %shift_left3A_929 : i32 to vector<1024x1024xi32>
    %shift_left3A_931 = arith.shli %add3A_927, %shift_left3A_930 : vector<1024x1024xi32>
    %shift_right_logical3A_932 = arith.constant 15 : i32
    %shift_right_logical3A_933 = vector.broadcast %shift_right_logical3A_932 : i32 to vector<1024x1024xi32>
    %shift_right_logical3A_934 = arith.shrui %add3A_927, %shift_right_logical3A_933 : vector<1024x1024xi32>
    %or3A_935 = arith.ori %shift_left3A_931, %shift_right_logical3A_934 : vector<1024x1024xi32>
    %xor3A_936 = arith.xori %add3A_928, %or3A_935 : vector<1024x1024xi32>
    %add3A_937 = arith.addi %add3A_928, %xor3A_936 : vector<1024x1024xi32>
    %shift_left3A_938 = arith.constant 29 : i32
    %shift_left3A_939 = vector.broadcast %shift_left3A_938 : i32 to vector<1024x1024xi32>
    %shift_left3A_940 = arith.shli %xor3A_936, %shift_left3A_939 : vector<1024x1024xi32>
    %shift_right_logical3A_941 = arith.constant 3 : i32
    %shift_right_logical3A_942 = vector.broadcast %shift_right_logical3A_941 : i32 to vector<1024x1024xi32>
    %shift_right_logical3A_943 = arith.shrui %xor3A_936, %shift_right_logical3A_942 : vector<1024x1024xi32>
    %or3A_944 = arith.ori %shift_left3A_940, %shift_right_logical3A_943 : vector<1024x1024xi32>
    %xor3A_945 = arith.xori %add3A_937, %or3A_944 : vector<1024x1024xi32>
    %add3A_946 = arith.addi %add3A_937, %xor3A_945 : vector<1024x1024xi32>
    %shift_left3A_947 = arith.constant 16 : i32
    %shift_left3A_948 = vector.broadcast %shift_left3A_947 : i32 to vector<1024x1024xi32>
    %shift_left3A_949 = arith.shli %xor3A_945, %shift_left3A_948 : vector<1024x1024xi32>
    %shift_right_logical3A_950 = arith.constant 16 : i32
    %shift_right_logical3A_951 = vector.broadcast %shift_right_logical3A_950 : i32 to vector<1024x1024xi32>
    %shift_right_logical3A_952 = arith.shrui %xor3A_945, %shift_right_logical3A_951 : vector<1024x1024xi32>
    %or3A_953 = arith.ori %shift_left3A_949, %shift_right_logical3A_952 : vector<1024x1024xi32>
    %xor3A_954 = arith.xori %add3A_946, %or3A_953 : vector<1024x1024xi32>
    %add3A_955 = arith.addi %add3A_946, %xor3A_954 : vector<1024x1024xi32>
    %shift_left3A_956 = arith.constant 24 : i32
    %shift_left3A_957 = vector.broadcast %shift_left3A_956 : i32 to vector<1024x1024xi32>
    %shift_left3A_958 = arith.shli %xor3A_954, %shift_left3A_957 : vector<1024x1024xi32>
    %shift_right_logical3A_959 = arith.constant 8 : i32
    %shift_right_logical3A_960 = vector.broadcast %shift_right_logical3A_959 : i32 to vector<1024x1024xi32>
    %shift_right_logical3A_961 = arith.shrui %xor3A_954, %shift_right_logical3A_960 : vector<1024x1024xi32>
    %or3A_962 = arith.ori %shift_left3A_958, %shift_right_logical3A_961 : vector<1024x1024xi32>
    %xor3A_963 = arith.xori %add3A_955, %or3A_962 : vector<1024x1024xi32>
    %add3A_964 = arith.constant 466689008 : i32
    %add3A_965 = vector.broadcast %add3A_964 : i32 to vector<1024x1024xi32>
    %add3A_966 = arith.addi %add3A_955, %add3A_965 : vector<1024x1024xi32>
    %add3A_967 = arith.constant 0 : i32
    %add3A_968 = vector.broadcast %add3A_967 : i32 to vector<1024x1024xi32>
    %add3A_969 = arith.addi %xor3A_963, %add3A_968 : vector<1024x1024xi32>
    %add3A_970 = arith.constant 2 : i32
    %add3A_971 = vector.broadcast %add3A_970 : i32 to vector<1024x1024xi32>
    %add3A_972 = arith.addi %add3A_969, %add3A_971 : vector<1024x1024xi32>
    %add3A_973 = arith.addi %add3A_966, %add3A_972 : vector<1024x1024xi32>
    %shift_left3A_974 = arith.constant 13 : i32
    %shift_left3A_975 = vector.broadcast %shift_left3A_974 : i32 to vector<1024x1024xi32>
    %shift_left3A_976 = arith.shli %add3A_972, %shift_left3A_975 : vector<1024x1024xi32>
    %shift_right_logical3A_977 = arith.constant 19 : i32
    %shift_right_logical3A_978 = vector.broadcast %shift_right_logical3A_977 : i32 to vector<1024x1024xi32>
    %shift_right_logical3A_979 = arith.shrui %add3A_972, %shift_right_logical3A_978 : vector<1024x1024xi32>
    %or3A_980 = arith.ori %shift_left3A_976, %shift_right_logical3A_979 : vector<1024x1024xi32>
    %xor3A_981 = arith.xori %add3A_973, %or3A_980 : vector<1024x1024xi32>
    %add3A_982 = arith.addi %add3A_973, %xor3A_981 : vector<1024x1024xi32>
    %shift_left3A_983 = arith.constant 15 : i32
    %shift_left3A_984 = vector.broadcast %shift_left3A_983 : i32 to vector<1024x1024xi32>
    %shift_left3A_985 = arith.shli %xor3A_981, %shift_left3A_984 : vector<1024x1024xi32>
    %shift_right_logical3A_986 = arith.constant 17 : i32
    %shift_right_logical3A_987 = vector.broadcast %shift_right_logical3A_986 : i32 to vector<1024x1024xi32>
    %shift_right_logical3A_988 = arith.shrui %xor3A_981, %shift_right_logical3A_987 : vector<1024x1024xi32>
    %or3A_989 = arith.ori %shift_left3A_985, %shift_right_logical3A_988 : vector<1024x1024xi32>
    %xor3A_990 = arith.xori %add3A_982, %or3A_989 : vector<1024x1024xi32>
    %add3A_991 = arith.addi %add3A_982, %xor3A_990 : vector<1024x1024xi32>
    %shift_left3A_992 = arith.constant 26 : i32
    %shift_left3A_993 = vector.broadcast %shift_left3A_992 : i32 to vector<1024x1024xi32>
    %shift_left3A_994 = arith.shli %xor3A_990, %shift_left3A_993 : vector<1024x1024xi32>
    %shift_right_logical3A_995 = arith.constant 6 : i32
    %shift_right_logical3A_996 = vector.broadcast %shift_right_logical3A_995 : i32 to vector<1024x1024xi32>
    %shift_right_logical3A_997 = arith.shrui %xor3A_990, %shift_right_logical3A_996 : vector<1024x1024xi32>
    %or3A_998 = arith.ori %shift_left3A_994, %shift_right_logical3A_997 : vector<1024x1024xi32>
    %xor3A_999 = arith.xori %add3A_991, %or3A_998 : vector<1024x1024xi32>
    %add3A_1000 = arith.addi %add3A_991, %xor3A_999 : vector<1024x1024xi32>
    %shift_left3A_1001 = arith.constant 6 : i32
    %shift_left3A_1002 = vector.broadcast %shift_left3A_1001 : i32 to vector<1024x1024xi32>
    %shift_left3A_1003 = arith.shli %xor3A_999, %shift_left3A_1002 : vector<1024x1024xi32>
    %shift_right_logical3A_1004 = arith.constant 26 : i32
    %shift_right_logical3A_1005 = vector.broadcast %shift_right_logical3A_1004 : i32 to vector<1024x1024xi32>
    %shift_right_logical3A_1006 = arith.shrui %xor3A_999, %shift_right_logical3A_1005 : vector<1024x1024xi32>
    %or3A_1007 = arith.ori %shift_left3A_1003, %shift_right_logical3A_1006 : vector<1024x1024xi32>
    %xor3A_1008 = arith.xori %add3A_1000, %or3A_1007 : vector<1024x1024xi32>
    %add3A_1009 = arith.constant 0 : i32
    %add3A_1010 = vector.broadcast %add3A_1009 : i32 to vector<1024x1024xi32>
    %add3A_1011 = arith.addi %add3A_1000, %add3A_1010 : vector<1024x1024xi32>
    %add3A_1012 = arith.constant 42 : i32
    %add3A_1013 = vector.broadcast %add3A_1012 : i32 to vector<1024x1024xi32>
    %add3A_1014 = arith.addi %xor3A_1008, %add3A_1013 : vector<1024x1024xi32>
    %add3A_1015 = arith.constant 3 : i32
    %add3A_1016 = vector.broadcast %add3A_1015 : i32 to vector<1024x1024xi32>
    %add3A_1017 = arith.addi %add3A_1014, %add3A_1016 : vector<1024x1024xi32>
    %add3A_1018 = arith.addi %add3A_1011, %add3A_1017 : vector<1024x1024xi32>
    %shift_left3A_1019 = arith.constant 17 : i32
    %shift_left3A_1020 = vector.broadcast %shift_left3A_1019 : i32 to vector<1024x1024xi32>
    %shift_left3A_1021 = arith.shli %add3A_1017, %shift_left3A_1020 : vector<1024x1024xi32>
    %shift_right_logical3A_1022 = arith.constant 15 : i32
    %shift_right_logical3A_1023 = vector.broadcast %shift_right_logical3A_1022 : i32 to vector<1024x1024xi32>
    %shift_right_logical3A_1024 = arith.shrui %add3A_1017, %shift_right_logical3A_1023 : vector<1024x1024xi32>
    %or3A_1025 = arith.ori %shift_left3A_1021, %shift_right_logical3A_1024 : vector<1024x1024xi32>
    %xor3A_1026 = arith.xori %add3A_1018, %or3A_1025 : vector<1024x1024xi32>
    %add3A_1027 = arith.addi %add3A_1018, %xor3A_1026 : vector<1024x1024xi32>
    %shift_left3A_1028 = arith.constant 29 : i32
    %shift_left3A_1029 = vector.broadcast %shift_left3A_1028 : i32 to vector<1024x1024xi32>
    %shift_left3A_1030 = arith.shli %xor3A_1026, %shift_left3A_1029 : vector<1024x1024xi32>
    %shift_right_logical3A_1031 = arith.constant 3 : i32
    %shift_right_logical3A_1032 = vector.broadcast %shift_right_logical3A_1031 : i32 to vector<1024x1024xi32>
    %shift_right_logical3A_1033 = arith.shrui %xor3A_1026, %shift_right_logical3A_1032 : vector<1024x1024xi32>
    %or3A_1034 = arith.ori %shift_left3A_1030, %shift_right_logical3A_1033 : vector<1024x1024xi32>
    %xor3A_1035 = arith.xori %add3A_1027, %or3A_1034 : vector<1024x1024xi32>
    %add3A_1036 = arith.addi %add3A_1027, %xor3A_1035 : vector<1024x1024xi32>
    %shift_left3A_1037 = arith.constant 16 : i32
    %shift_left3A_1038 = vector.broadcast %shift_left3A_1037 : i32 to vector<1024x1024xi32>
    %shift_left3A_1039 = arith.shli %xor3A_1035, %shift_left3A_1038 : vector<1024x1024xi32>
    %shift_right_logical3A_1040 = arith.constant 16 : i32
    %shift_right_logical3A_1041 = vector.broadcast %shift_right_logical3A_1040 : i32 to vector<1024x1024xi32>
    %shift_right_logical3A_1042 = arith.shrui %xor3A_1035, %shift_right_logical3A_1041 : vector<1024x1024xi32>
    %or3A_1043 = arith.ori %shift_left3A_1039, %shift_right_logical3A_1042 : vector<1024x1024xi32>
    %xor3A_1044 = arith.xori %add3A_1036, %or3A_1043 : vector<1024x1024xi32>
    %add3A_1045 = arith.addi %add3A_1036, %xor3A_1044 : vector<1024x1024xi32>
    %shift_left3A_1046 = arith.constant 24 : i32
    %shift_left3A_1047 = vector.broadcast %shift_left3A_1046 : i32 to vector<1024x1024xi32>
    %shift_left3A_1048 = arith.shli %xor3A_1044, %shift_left3A_1047 : vector<1024x1024xi32>
    %shift_right_logical3A_1049 = arith.constant 8 : i32
    %shift_right_logical3A_1050 = vector.broadcast %shift_right_logical3A_1049 : i32 to vector<1024x1024xi32>
    %shift_right_logical3A_1051 = arith.shrui %xor3A_1044, %shift_right_logical3A_1050 : vector<1024x1024xi32>
    %or3A_1052 = arith.ori %shift_left3A_1048, %shift_right_logical3A_1051 : vector<1024x1024xi32>
    %xor3A_1053 = arith.xori %add3A_1045, %or3A_1052 : vector<1024x1024xi32>
    %add3A_1054 = arith.constant 42 : i32
    %add3A_1055 = vector.broadcast %add3A_1054 : i32 to vector<1024x1024xi32>
    %add3A_1056 = arith.addi %add3A_1045, %add3A_1055 : vector<1024x1024xi32>
    %add3A_1057 = arith.constant 466689008 : i32
    %add3A_1058 = vector.broadcast %add3A_1057 : i32 to vector<1024x1024xi32>
    %add3A_1059 = arith.addi %xor3A_1053, %add3A_1058 : vector<1024x1024xi32>
    %add3A_1060 = arith.constant 4 : i32
    %add3A_1061 = vector.broadcast %add3A_1060 : i32 to vector<1024x1024xi32>
    %add3A_1062 = arith.addi %add3A_1059, %add3A_1061 : vector<1024x1024xi32>
    %add3A_1063 = arith.addi %add3A_1056, %add3A_1062 : vector<1024x1024xi32>
    %shift_left3A_1064 = arith.constant 13 : i32
    %shift_left3A_1065 = vector.broadcast %shift_left3A_1064 : i32 to vector<1024x1024xi32>
    %shift_left3A_1066 = arith.shli %add3A_1062, %shift_left3A_1065 : vector<1024x1024xi32>
    %shift_right_logical3A_1067 = arith.constant 19 : i32
    %shift_right_logical3A_1068 = vector.broadcast %shift_right_logical3A_1067 : i32 to vector<1024x1024xi32>
    %shift_right_logical3A_1069 = arith.shrui %add3A_1062, %shift_right_logical3A_1068 : vector<1024x1024xi32>
    %or3A_1070 = arith.ori %shift_left3A_1066, %shift_right_logical3A_1069 : vector<1024x1024xi32>
    %xor3A_1071 = arith.xori %add3A_1063, %or3A_1070 : vector<1024x1024xi32>
    %add3A_1072 = arith.addi %add3A_1063, %xor3A_1071 : vector<1024x1024xi32>
    %shift_left3A_1073 = arith.constant 15 : i32
    %shift_left3A_1074 = vector.broadcast %shift_left3A_1073 : i32 to vector<1024x1024xi32>
    %shift_left3A_1075 = arith.shli %xor3A_1071, %shift_left3A_1074 : vector<1024x1024xi32>
    %shift_right_logical3A_1076 = arith.constant 17 : i32
    %shift_right_logical3A_1077 = vector.broadcast %shift_right_logical3A_1076 : i32 to vector<1024x1024xi32>
    %shift_right_logical3A_1078 = arith.shrui %xor3A_1071, %shift_right_logical3A_1077 : vector<1024x1024xi32>
    %or3A_1079 = arith.ori %shift_left3A_1075, %shift_right_logical3A_1078 : vector<1024x1024xi32>
    %xor3A_1080 = arith.xori %add3A_1072, %or3A_1079 : vector<1024x1024xi32>
    %add3A_1081 = arith.addi %add3A_1072, %xor3A_1080 : vector<1024x1024xi32>
    %shift_left3A_1082 = arith.constant 26 : i32
    %shift_left3A_1083 = vector.broadcast %shift_left3A_1082 : i32 to vector<1024x1024xi32>
    %shift_left3A_1084 = arith.shli %xor3A_1080, %shift_left3A_1083 : vector<1024x1024xi32>
    %shift_right_logical3A_1085 = arith.constant 6 : i32
    %shift_right_logical3A_1086 = vector.broadcast %shift_right_logical3A_1085 : i32 to vector<1024x1024xi32>
    %shift_right_logical3A_1087 = arith.shrui %xor3A_1080, %shift_right_logical3A_1086 : vector<1024x1024xi32>
    %or3A_1088 = arith.ori %shift_left3A_1084, %shift_right_logical3A_1087 : vector<1024x1024xi32>
    %xor3A_1089 = arith.xori %add3A_1081, %or3A_1088 : vector<1024x1024xi32>
    %add3A_1090 = arith.addi %add3A_1081, %xor3A_1089 : vector<1024x1024xi32>
    %shift_left3A_1091 = arith.constant 6 : i32
    %shift_left3A_1092 = vector.broadcast %shift_left3A_1091 : i32 to vector<1024x1024xi32>
    %shift_left3A_1093 = arith.shli %xor3A_1089, %shift_left3A_1092 : vector<1024x1024xi32>
    %shift_right_logical3A_1094 = arith.constant 26 : i32
    %shift_right_logical3A_1095 = vector.broadcast %shift_right_logical3A_1094 : i32 to vector<1024x1024xi32>
    %shift_right_logical3A_1096 = arith.shrui %xor3A_1089, %shift_right_logical3A_1095 : vector<1024x1024xi32>
    %or3A_1097 = arith.ori %shift_left3A_1093, %shift_right_logical3A_1096 : vector<1024x1024xi32>
    %xor3A_1098 = arith.xori %add3A_1090, %or3A_1097 : vector<1024x1024xi32>
    %add3A_1099 = arith.constant 466689008 : i32
    %add3A_1100 = vector.broadcast %add3A_1099 : i32 to vector<1024x1024xi32>
    %add3A_1101 = arith.addi %add3A_1090, %add3A_1100 : vector<1024x1024xi32>
    %add3A_1102 = arith.constant 0 : i32
    %add3A_1103 = vector.broadcast %add3A_1102 : i32 to vector<1024x1024xi32>
    %add3A_1104 = arith.addi %xor3A_1098, %add3A_1103 : vector<1024x1024xi32>
    %add3A_1105 = arith.constant 5 : i32
    %add3A_1106 = vector.broadcast %add3A_1105 : i32 to vector<1024x1024xi32>
    %add3A_1107 = arith.addi %add3A_1104, %add3A_1106 : vector<1024x1024xi32>
    %xor3A_1108 = arith.xori %add3A_1101, %add3A_1107 : vector<1024x1024xi32>
    %shift_right_logical3A_1109 = arith.constant 9 : i32
    %shift_right_logical3A_1110 = vector.broadcast %shift_right_logical3A_1109 : i32 to vector<1024x1024xi32>
    %shift_right_logical3A_1111 = arith.shrui %xor3A_1108, %shift_right_logical3A_1110 : vector<1024x1024xi32>
    %or3A_1112 = arith.constant 1065353216 : i32
    %or3A_1113 = vector.broadcast %or3A_1112 : i32 to vector<1024x1024xi32>
    %or3A_1114 = arith.ori %shift_right_logical3A_1111, %or3A_1113 : vector<1024x1024xi32>
    %bitcast_convert_type3A_1115 = tpu.bitcast %or3A_1114 : vector<1024x1024xi32> -> vector<1024x1024xf32>
    %sub3A_1116 = arith.constant 1.000000e+00 : f32
    %sub3A_1117 = vector.broadcast %sub3A_1116 : f32 to vector<1024x1024xf32>
    %sub3A_1118 = arith.subf %bitcast_convert_type3A_1115, %sub3A_1117 : vector<1024x1024xf32>
    %mul3A_1119 = arith.constant 1.000000e+00 : f32
    %mul3A_1120 = vector.broadcast %mul3A_1119 : f32 to vector<1024x1024xf32>
    %mul3A_1121 = arith.mulf %sub3A_1118, %mul3A_1120 : vector<1024x1024xf32>
    %add3A_1122 = arith.constant 1.17549435E-38 : f32
    %add3A_1123 = vector.broadcast %add3A_1122 : f32 to vector<1024x1024xf32>
    %add3A_1124 = arith.addf %mul3A_1121, %add3A_1123 : vector<1024x1024xf32>
    %max3A_1125 = arith.constant 1.17549435E-38 : f32
    %max3A_1126 = vector.broadcast %max3A_1125 : f32 to vector<1024x1024xf32>
    %max3A_1127 = arith.maximumf %max3A_1126, %add3A_1124 : vector<1024x1024xf32>
    %log3A_1128 = math.log %max3A_1127 : vector<1024x1024xf32>
    %neg3A_1129 = arith.constant 0.000000e+00 : f32
    %neg3A_1130 = vector.broadcast %neg3A_1129 : f32 to vector<1024x1024xf32>
    %neg3A_1131 = arith.subf %neg3A_1130, %log3A_1128 : vector<1024x1024xf32>
    %log3A_1132 = math.log %neg3A_1131 : vector<1024x1024xf32>
    %neg3A_1133 = arith.constant 0.000000e+00 : f32
    %neg3A_1134 = vector.broadcast %neg3A_1133 : f32 to vector<1024x1024xf32>
    %neg3A_1135 = arith.subf %neg3A_1134, %log3A_1132 : vector<1024x1024xf32>
    %get3A_1136 = arith.constant 0 : index
    %get3A_1137 = arith.constant 3072 : index
    %get3A_1138 = vector.load %arg1[%get3A_1136, %get3A_1137] : memref<1x4096xf32, #tpu.memory_space<vmem>>, vector<1x1024xf32>
    %get3A_1139 = vector.shape_cast %get3A_1138 : vector<1x1024xf32> to vector<1024xf32>
    %broadcast_in_dim3A_1140 = vector.shape_cast %get3A_1139 : vector<1024xf32> to vector<1x1024xf32>
    %add3A_1141 = vector.broadcast %broadcast_in_dim3A_1140 : vector<1x1024xf32> to vector<1024x1024xf32>
    %add3A_1142 = arith.addf %neg3A_1135, %add3A_1141 : vector<1024x1024xf32>
    %reduce_max3A_1143 = arith.constant dense<0xFF800000> : vector<1024xf32>
    %reduce_max3A_1144 = vector.multi_reduction <maximumf>, %add3A_1142, %reduce_max3A_1143 [1] : vector<1024x1024xf32> to vector<1024xf32>
    %broadcast_in_dim3A_1145 = vector.shape_cast %reduce_max3A_1144 : vector<1024xf32> to vector<1024x1xf32>
    %iota3A_1146 = tpu.iota {dimensions = array<i32: 1>} : vector<1024x1024xi32>
    %add3A_1147 = arith.constant 3072 : i32
    %add3A_1148 = vector.broadcast %add3A_1147 : i32 to vector<1024x1024xi32>
    %add3A_1149 = arith.addi %iota3A_1146, %add3A_1148 : vector<1024x1024xi32>
    %eq3A_1150 = vector.broadcast %broadcast_in_dim3A_1145 : vector<1024x1xf32> to vector<1024x1024xf32>
    %eq3A_1151 = arith.cmpf oeq, %add3A_1142, %eq3A_1150 : vector<1024x1024xf32>
    %jit3A_1152 = arith.constant 4096 : i32
    %broadcast_in_dim3A_1153 = vector.broadcast %jit3A_1152 : i32 to vector<1024x1024xi32>
    %select_n3A_1154 = arith.select %eq3A_1151, %add3A_1149, %broadcast_in_dim3A_1153 : vector<1024x1024xi1>, vector<1024x1024xi32>
    %reduce_min3A_1155 = arith.constant dense<2147483647> : vector<1024xi32>
    %reduce_min3A_1156 = vector.multi_reduction <minsi>, %select_n3A_1154, %reduce_min3A_1155 [1] : vector<1024x1024xi32> to vector<1024xi32>
    %broadcast_in_dim3A_1157 = vector.shape_cast %reduce_min3A_1156 : vector<1024xi32> to vector<1024x1xi32>
    %gt3A_1158 = arith.cmpf ogt, %broadcast_in_dim3A_1145, %max3A_865 : vector<1024x1xf32>
    %select_n3A_1159 = arith.select %gt3A_1158, %broadcast_in_dim3A_1157, %select_n3A_864 : vector<1024x1xi1>, vector<1024x1xi32>
    %swap3A = arith.constant 0 : index
    %swap3A_1160 = arith.constant 0 : index
    %swap3A_1161 = vector.load %arg2[%swap3A, %swap3A_1160] : memref<1024x1xi32, #tpu.memory_space<vmem>>, vector<1024x1xi32>
    tpu.vector_store %arg2[%swap3A, %swap3A_1160], %select_n3A_1159 {strides = array<i32>} : memref<1024x1xi32, #tpu.memory_space<vmem>>, vector<1024x1xi32>,
    return
  }
  func.func @transform_0(%arg0: i32) -> (i32, i32) {
    %c0_i32 = arith.constant 0 : i32
    %c0_i32_0 = arith.constant 0 : i32
    %c0_i32_1 = arith.constant 0 : i32
    return %c0_i32, %c0_i32_0 : i32, i32
  }
  func.func @transform_1(%arg0: i32) -> (i32, i32) {
    %c0_i32 = arith.constant 0 : i32
    %c0_i32_0 = arith.constant 0 : i32
    return %arg0, %c0_i32 : i32, i32
  }
}

</mosaic_0001>

<sc_bundles>
// kernel: kernel.5.cloned.1.call-start
scs
__scs_entry_jumppad:
0x0: {  	(pc) =	sbr.rel $0x88, $3  }
0x1: {  	(tag) =	ssettag $0x0;
	lr =	simm.s32 $0x1  }
0x2: {  	[smem:$0x3F93] =	sst lr;
	_ =	strace $0xD0000000  }
0x3: {  	_ = 	snop  }
0x4: {  	_ = 	snop  }
0x5: {  	_ = 	snop  }
0x6: {  	_ = 	snop  }
0x7: {  	_ = 	snop  }
__scs_overlays_trampoline_lowered:
0x8: {  	[smem:$0x3FA2] =	sst s0  }
0x9: {  	[smem:$0x3FA3] =	sst s1  }
0xa: {  	[smem:$0x3FA4] =	sst s2  }
0xb: {  	[smem:$0x3FA5] =	sst s3  }
0xc: {  	[smem:$0x3FA6] =	sst s4  }
0xd: {  	[smem:$0x3FA7] =	sst s5  }
0xe: {  	[smem:$0x3FA8] =	sst s6  }
0xf: {  	[smem:$0x3FA9] =	sst s7  }
0x10: {  	[smem:$0x3FAA] =	sst s8  }
0x11: {  	[smem:$0x3FAB] =	sst s9;
	s0 =	simm.s32 @!p0 $0x0  }
0x12: {  	s1 =	sld [smem:$0x3F91];
	s0 =	simm.s32 @p0 $0x1  }
0x13: {  	[smem:$0x3FAC] =	sst s0;
	s0 =	simm.s32 @!p1 $0x0  }
0x14: {  	s2 =	sld [smem:$0x3F90];
	s0 =	simm.s32 @p1 $0x1  }
0x15: {  	[smem:$0x3FAD] =	sst s0;
	s0 =	simm.s32 @!p2 $0x0  }
0x16: {  	s3 =	sld [smem:$0x3FDB];
	s0 =	simm.s32 @p2 $0x1  }
0x17: {  	s4 =	simm.s32 $0x1BF5;
	[smem:$0x3FAF] =	sst s0  }
0x18: {  	s0 =	sld [smem:$0x3F92];
	_ =	swait.ge [sflag:s4], $0x0  }
0x19: {  	s7 =	sld [smem:$0x3F93]  }
0x1a: {  	s8 =	sadd.s32 $0xFFFFE003, lr  }
0x1b: {  	s9 =	sadd.s32 $0xFFFFFEF7, lr;
	s5 =	simm.s32 $0xFFFFFFFF;
	p2 =	slt.u32 s8, $0xFFFFF086  }
0x1c: {  	p1 =	slt.u32 s9, $0xF7A;
	s5 =	simm.s32 @!p2 $0x0  }
0x1d: {  	s5 =	simm.s32 @p1 $0x1;
	p0 =	seq.s32 s7, s2  }
0x1e: {  	s7 =	smul.u32 @!p0 $0xF7A, s2;
	p2 =	seq.s32 @!p0 s5, $0x0  }
0x1f: {  	s9 =	smul.u32 $0xF7A, s1;
	s8 =	simm.s32 @!p0 $0x1BF5;
	p2 =	por !p2, p0  }
0x20: {  	[sflag:s8] =	ssyncset.s32 @!p0 $0xFFFFF086;
	s6 =	sadd.s32 @!p0 s3, s7;
	s7 =	simm.s32 @!p0 $0x108  }
0x21: {  	s3 =	sadd.s32 s3, s9;
	s6 =	sadd.s32 @!p0 $0x88, s6;
	s7 =	simm.s32 @p2 $0x1082  }
0x22: {  	[simem:s7], [sflag:s8] =	dma.local @!p0 [hbm:s6], $0xF7A  }
0x23: {  	s9 =	sor.u32 $0xD0000000, s2;
	s6 =	simm.s32 $0x108;
	_ =	swait.ge @!p0 [sflag:s8], $0x0  }
0x24: {  	s3 =	sadd.s32 $0x88, s3;
	s6 =	simm.s32 @!p1 $0x1082;
	[sflag:s4] =	ssyncset.s32 $0xFFFFF086  }
0x25: {  	[simem:s6], [sflag:s4] =	dma.local [hbm:s3], $0xF7A  }
0x26: {  	[smem:$0x3F93] =	sst s1;
	(tag) =	ssettag s2;
	_ =	strace s9  }
0x27: {  	s1 =	sld [smem:$0x3FA3]  }
0x28: {  	s2 =	sld [smem:$0x3FA4]  }
0x29: {  	s4 =	sld [smem:$0x3FA6]  }
0x2a: {  	p0 =	seq.s32 s5, $0x0;
	s5 =	sld [smem:$0x3FA7]  }
0x2b: {  	s6 =	sld [smem:$0x3FA8]  }
0x2c: {  	s7 =	sld [smem:$0x3FA9]  }
0x2d: {  	s3 =	simm.s32 $0x108;
	s8 =	sld [smem:$0x3FAA]  }
0x2e: {  	s3 =	simm.s32 @!p0 $0x1082;
	s9 =	sld [smem:$0x3FAB]  }
0x2f: {  	lr =	sadd.s32 s0, s3;
	s0 =	sld [smem:$0x3FA2]  }
0x30: {  	s3 =	sld [smem:$0x3FA5]  }
0x31: {  	[smem:$0x3FAE] =	sst s10  }
0x32: {  	s10 =	sld [smem:$0x3FAC];
	_ =	sdelay $0x3  }
0x33: {  	p0 =	seq.s32 s10, $0x1;
	s10 =	sld [smem:$0x3FAE];
	_ =	sdelay $0x3  }
0x34: {  	[smem:$0x3FAE] =	sst s10  }
0x35: {  	s10 =	sld [smem:$0x3FAD];
	_ =	sdelay $0x3  }
0x36: {  	p1 =	seq.s32 s10, $0x1;
	s10 =	sld [smem:$0x3FAE];
	_ =	sdelay $0x3  }
0x37: {  	[smem:$0x3FAE] =	sst s10  }
0x38: {  	s10 =	sld [smem:$0x3FAF]  }
0x39: {  	_ = 	snop;
	(pc) =	sbr.ind lr, $3  }
0x3a: {  	_ = 	snop  }
0x3b: {  	_ = 	snop  }
0x3c: {  	p2 =	seq.s32 s10, $0x1;
	s10 =	sld [smem:$0x3FAE]  }
0x3d: {  	_ =	shalt  }
0x3e: {  	_ =	shalt  }
0x3f: {  	_ =	shalt  }
0x40: {  	_ =	shalt  }
0x41: {  	_ =	shalt  }
0x42: {  	_ =	shalt  }
0x43: {  	_ =	shalt  }
0x44: {  	_ =	shalt  }
0x45: {  	_ =	shalt  }
0x46: {  	_ =	shalt  }
0x47: {  	_ =	shalt  }
0x48: {  	_ =	shalt  }
0x49: {  	_ =	shalt  }
0x4a: {  	_ =	shalt  }
0x4b: {  	_ =	shalt  }
0x4c: {  	_ =	shalt  }
0x4d: {  	_ =	shalt  }
0x4e: {  	_ =	shalt  }
0x4f: {  	_ =	shalt  }
0x50: {  	_ =	shalt  }
0x51: {  	_ =	shalt  }
0x52: {  	_ =	shalt  }
0x53: {  	_ =	shalt  }
0x54: {  	_ =	shalt  }
0x55: {  	_ =	shalt  }
0x56: {  	_ =	shalt  }
0x57: {  	_ =	shalt  }
0x58: {  	_ =	shalt  }
0x59: {  	_ =	shalt  }
0x5a: {  	_ =	shalt  }
0x5b: {  	_ =	shalt  }
0x5c: {  	_ =	shalt  }
0x5d: {  	_ =	shalt  }
0x5e: {  	_ =	shalt  }
0x5f: {  	_ =	shalt  }
0x60: {  	_ =	shalt  }
0x61: {  	_ =	shalt  }
0x62: {  	_ =	shalt  }
0x63: {  	_ =	shalt  }
0x64: {  	_ =	shalt  }
0x65: {  	_ =	shalt  }
0x66: {  	_ =	shalt  }
0x67: {  	_ =	shalt  }
0x68: {  	_ =	shalt  }
0x69: {  	_ =	shalt  }
0x6a: {  	_ =	shalt  }
0x6b: {  	_ =	shalt  }
0x6c: {  	_ =	shalt  }
0x6d: {  	_ =	shalt  }
0x6e: {  	_ =	shalt  }
0x6f: {  	_ =	shalt  }
0x70: {  	_ =	shalt  }
0x71: {  	_ =	shalt  }
0x72: {  	_ =	shalt  }
0x73: {  	_ =	shalt  }
0x74: {  	_ =	shalt  }
0x75: {  	_ =	shalt  }
0x76: {  	_ =	shalt  }
0x77: {  	_ =	shalt  }
0x78: {  	_ =	shalt  }
0x79: {  	_ =	shalt  }
0x7a: {  	_ =	shalt  }
0x7b: {  	_ =	shalt  }
0x7c: {  	_ =	shalt  }
0x7d: {  	_ =	shalt  }
0x7e: {  	_ =	shalt  }
0x7f: {  	_ =	shalt  }
0x80: {  	_ =	shalt  }
0x81: {  	_ =	shalt  }
0x82: {  	_ =	shalt  }
0x83: {  	_ =	shalt  }
0x84: {  	_ =	shalt  }
0x85: {  	_ =	shalt  }
0x86: {  	_ =	shalt  }
0x87: {  	_ =	shalt  }
.Lfunc_end0:
.L_simem_size_0:
called_computation_lowered:
.L_overlay_start_0:
0x88: {  	s2 =	sld [smem:$0x3FD9]  }
0x89: {  	s3 =	sld [smem:$0x3FFE];
	_ =	sdelay $0x1  }
0x8a: {  	s1 =	srdreg.scid  }
0x8b: {  	s0 =	sand.u32 $0x1, s1  }
0x8c: {  	s17 =	sshll.u32 s0, $0xA;
	s2 =	sadd.s32 s3, s2  }
0x8d: {  	s2 =	sadd.s32 s2, s17  }
0x8e: {  	[smem:$0x3FBA] =	sst s2  }
0x8f: {  	_ = 	snop  }
0x90: {  	s2 =	sld [smem:$0x3FD0];
	(tm) =	ssettm $0x1  }
0x91: {  	s18 =	sld [smem:$0x3FFB];
	_ =	sdelay $0x3  }
0x92: {  	_ =	strace s18  }
0x93: {  	s3 =	sld [smem:$0x3FFC];
	_ =	sdelay $0x3  }
0x94: {  	_ =	strace s3  }
0x95: {  	s3 =	sld [smem:$0x3FFD];
	_ =	sdelay $0x3  }
0x96: {  	_ =	strace s3  }
0x97: {  	_ =	strace $0x8FFFFFFF  }
0x98: {  	s19 =	sld [smem:$0x3FDB];
	_ =	sdelay $0x1  }
0x99: {  	s4 =	simm.s32 $_scs_section_size  }
0x9a: {  	s5 =	simm.s32 $_size__tile_overlayer_lowered;
	s6 =	simm.s32 $_tile_overlayer_lowered  }
0x9b: {  	s22 =	simm.s32 $0x1BFF;
	s21 =	sshll.u32 s6, $0x1;
	s3 =	sadd.s32 s4, s19  }
0x9c: {  	s7 =	simm.s32 $0x0;
	s20 =	sshll.u32 s5, $0x1;
	s5 =	sadd.s32 s21, s3  }
0x9d: {  	[timem:s7], [sflag:s22] =	dma.local [hbm:s5], s20  }
0x9e: {  	_ =	swait.ge [sflag:s22], s20  }
0x9f: {  	s4 =	ssub.s32 $0x0, s20;
	[sflag:s22] =	ssyncset.done $0x0  }
0xa0: {  	[sflag:s22] =	ssyncadd.s32 s4;
	_ =	sdelay $0x1  }
0xa1: {  	s23 =	simm.s32 $0x1B8B  }
0xa2: {  	_ =	swait.ge [sflag:s23], $0x1  }
0xa3: {  	[sflag:s23] =	ssyncset.done $0x0  }
0xa4: {  	s25 =	simm.s32 $0x1B8E;
	s24 =	sld [smem:$0x3FFE];
	[sflag:s23] =	ssyncadd.s32 $0xFFFFFFFF  }
0xa5: {  	s26 =	simm.s32 $execute0_lowered;
	[smem:$0x3FD2] =	sst s25  }
0xa6: {  	s5 =	sshll.u32 s26, $0x1;
	_ =	strace $0x80000046;
	[dreg:$0x1] =	wrdreg $0xFFFFFFFF  }
0xa7: {  	s28 =	simm.s32 $_size_execute0_lowered;
	s3 =	sadd.s32 s3, s5;
	[dreg:$0x0] =	wrdreg $0x0  }
0xa8: {  	s5 =	sshll.u32 s28, $0x1;
	[dreg:$0x2] =	wrdreg s3  }
0xa9: {  	[dreg:$0x3] =	wrdreg s5  }
0xaa: {  	[dreg:$0x4] =	wrdreg $0xC0  }
0xab: {  	_ =	task [dreg:s7], $0x5FFFF  }
0xac: {  	[dreg:$0x1] =	wrdreg $0xFFFFFFFF  }
0xad: {  	[dreg:$0x0] =	wrdreg $0x60  }
0xae: {  	[dreg:$0x2] =	wrdreg s2  }
0xaf: {  	[dreg:$0x3] =	wrdreg s24  }
0xb0: {  	[dreg:$0x4] =	wrdreg $0x9  }
0xb1: {  	_ =	task.clear_ibuf [dreg:s7], $0x5FFFF;
	_ =	strace $0x90000046  }
0xb2: {  	s29 =	simm.s32 $0x9;
	_ =	strace $0x80000048  }
0xb3: {  	_ =	swait.ge [sflag:s29], $0x1  }
0xb4: {  	[sflag:s29] =	ssyncadd.s32 $0xFFFFFFFF  }
0xb5: {  	_ =	strace $0x90000048  }
0xb6: {  	_ =	sfence  }
0xb7: {  	s30 =	sld [smem:$0x0];
	_ =	sdelay $0x2  }
0xb8: {  	s31 =	sshll.u32 s1, $0xD;
	s1 =	sshrl.u32 s1, $0x2  }
0xb9: {  	s3 =	sand.u32 $0x4000, s31;
	s1 =	sadd.s32 s1, s30  }
0xba: {  	s0 =	sor.u32 s3, s0;
	s1 =	sshll.u32 s1, $0x11  }
0xbb: {  	s0 =	sor.u32 s1, s0  }
0xbc: {  	s0 =	sadd.s32 $0x8F2B, s0  }
0xbd: {  	[sflag:s0] =	ssyncadd.remote.s32 $0x1  }
0xbe: {  	_ =	sfence.sel $0xFFFF  }
0xbf: {  	[dreg:$0x0] =	wrdreg $0xFFFFFFFF;
	(pc) =	sbr.abs _section_cstart, $3  }
0xc0: {  	[dreg:$0x1] =	wrdreg $0xFFFFFFFF  }
0xc1: {  	_ =	task.clear_ibuf [dreg:s7], $0x2FFFF;
	_ =	strace $0x9FFFFFFF  }
0xc2: {  	(tm) =	ssettm $0x7FFFFFFF  }
0xc3: {  	_ =	shalt  }
tec
execute0_lowered:
.L_overlay_start_1:
0x0: {  	(tag) =	ssettag $0x1  }
0x1: {  	s0 =	rddreg [dreg:$0x0]  }
0x2: {  	s2 =	rddreg [dreg:$0x1]  }
0x3: {  	s1 =	srdreg.scid;
	s3 =	simm.s32 $0x0;
	s4 =	stileid.u32  }
0x4: {  	s17 =	simm.s32 $0x2;
	s18 =	simm.s32 $0x80;
	s31 =	simm.s32 $0x1  }
0x5: {  	s1 =	sand.u32 $0x1, s1;
	[smem:$0x7FF] =	sst s3;
	s4 =	sshll.u32 s4, $0x5  }
0x6: {  	s9 =	sadd.s32 $0x1A0000, s2;
	s7 =	sadd.s32 $0x400, s2;
	s5 =	sshll.u32 s1, $0x4  }
0x7: {  	s8 =	sadd.s32 $0x500, s2;
	s1 =	ssub.s32 $0x2, s1;
	s6 =	sor.u32 s5, s4  }
0x8: {  	_ =	strace $0x80000047;
	s29 =	sshrl.u32 s1, $0x1;
	s30 =	smul.u32 $0x6800, s6  }
0x9: {  	s4 =	sadd.s32 $0x100, s2;
	s0 =	sadd.s32 s0, s6;
	s10 =	smul.u32 $0xD00, s6  }
0xa: {  	s5 =	sadd.s32 $0x200, s2;
	[dreg:$0x3] =	wrdreg s0;
	s0 =	sshrl.u32 s30, $0x3  }
0xb: {  	s1 =	ssub.s32 s1, s29;
	s10 =	sadd.s32 s9, s10;
	s0 =	sadd.s32 s9, s0  }
0xc: {  	s6 =	sadd.s32 $0x300, s2;
	[dreg:$0x4] =	wrdreg s10;
	s11 =	sadd.s32 $0x1A00, s0  }
0xd: {  	s9 =	sadd.s32 $0x600, s2;
	s12 =	sadd.s32 $0x3400, s0;
	[dreg:$0x5] =	wrdreg s11  }
0xe: {  	s10 =	sadd.s32 $0x700, s2;
	s13 =	sadd.s32 $0x4E00, s0;
	[dreg:$0x6] =	wrdreg s12  }
0xf: {  	s14 =	sadd.s32 $0x6800, s0;
	s15 =	sadd.s32 $0x8200, s0;
	[dreg:$0x7] =	wrdreg s13  }
0x10: {  	s16 =	sadd.s32 $0x9C00, s0;
	s0 =	sadd.s32 $0xB600, s0;
	[dreg:$0x8] =	wrdreg s14  }
0x11: {  	v2 =	vlaneseq.u32;
	s11 =	sadd.s32 $0x800, s2;
	s12 =	sadd.s32 $0x900, s2;
	[dreg:$0x9] =	wrdreg s15  }
0x12: {  	vm0 =	vmmov $0xffff;
	v1 =	vshrl.u32 v2, $0x3;
	s13 =	sadd.s32 $0xA00, s2;
	s14 =	sadd.s32 $0xB00, s2;
	[dreg:$0xa] =	wrdreg s16  }
0x13: {  	v0 =	vand.u32 $0x7, v2;
	v2 =	vor.u32 $0x8, v2;
	v1 =	vmul.u32 $0x8, v1;
	s15 =	sadd.s32 $0xC00, s2;
	[dreg:$0xb] =	wrdreg s0;
	s16 =	smax.u32 s1, $0x1  }
.LBB2_1:
0x14: {  	s0 =	rddreg [dreg:$0x3]  }
0x15: {  	[tilespmem:s3], [sflag:$0x2] =	stream.linear.gather [hbm4b:s0+s3], $0x80, $0x38;
	[tilespmem:$0xD080] =	vst v63  }
0x16: {  	_ =	swait.ge [sflag:s17], $0x80  }
0x17: {  	[sflag:s17] =	ssyncset.done $0x0  }
0x18: {  	[sflag:s17] =	ssyncadd.s32 $0xFFFFFF80  }
0x19: {  	v3 =	vld [tilespmem:$0x0];
	_ =	sdelay $0x4  }
0x1a: {  	v4 =	vshrl.u32 v3, $0x3  }
0x1b: {  	v4 =	vmul.u32 $0xD0, v4  }
0x1c: {  	v3 =	vand.u32 $0x7, v3  }
0x1d: {  	v3 =	vor.u32 v3, v4  }
0x1e: {  	v4 =	vperm.xlane v3, v0;
	_ =	sdelay $0x1  }
0x1f: {  	v4 =	vadd.s32 v1, v4;
	_ =	sdelay $0x4  }
0x20: {  	[tilespmem:s18], [sflag:$0x1] =	stream.indirect_vreg.gather [hbm4b:s2+s3], $0x80, v4, vm0, $0xb8;
	[tilespmem:$0xD080] =	vst v63  }
0x21: {  	s19 =	simm.s32 $0x880  }
0x22: {  	[tilespmem:s19], [sflag:$0x1] =	stream.indirect_vreg.gather [hbm4b:s4+s3], $0x80, v4, vm0, $0xb8;
	[tilespmem:$0xD080] =	vst v63  }
0x23: {  	s20 =	simm.s32 $0x1080  }
0x24: {  	[tilespmem:s20], [sflag:$0x1] =	stream.indirect_vreg.gather [hbm4b:s5+s3], $0x80, v4, vm0, $0xb8;
	[tilespmem:$0xD080] =	vst v63  }
0x25: {  	s21 =	simm.s32 $0x1880  }
0x26: {  	[tilespmem:s21], [sflag:$0x1] =	stream.indirect_vreg.gather [hbm4b:s6+s3], $0x80, v4, vm0, $0xb8;
	[tilespmem:$0xD080] =	vst v63  }
0x27: {  	s22 =	simm.s32 $0x2080  }
0x28: {  	[tilespmem:s22], [sflag:$0x1] =	stream.indirect_vreg.gather [hbm4b:s7+s3], $0x80, v4, vm0, $0xb8;
	[tilespmem:$0xD080] =	vst v63  }
0x29: {  	s23 =	simm.s32 $0x2880  }
0x2a: {  	[tilespmem:s23], [sflag:$0x1] =	stream.indirect_vreg.gather [hbm4b:s8+s3], $0x80, v4, vm0, $0xb8;
	[tilespmem:$0xD080] =	vst v63  }
0x2b: {  	s24 =	simm.s32 $0x3080  }
0x2c: {  	[tilespmem:s24], [sflag:$0x1] =	stream.indirect_vreg.gather [hbm4b:s9+s3], $0x80, v4, vm0, $0xb8;
	[tilespmem:$0xD080] =	vst v63  }
0x2d: {  	s25 =	simm.s32 $0x3880  }
0x2e: {  	[tilespmem:s25], [sflag:$0x1] =	stream.indirect_vreg.gather [hbm4b:s10+s3], $0x80, v4, vm0, $0xb8;
	[tilespmem:$0xD080] =	vst v63  }
0x2f: {  	s26 =	simm.s32 $0x4080  }
0x30: {  	[tilespmem:s26], [sflag:$0x1] =	stream.indirect_vreg.gather [hbm4b:s11+s3], $0x80, v4, vm0, $0xb8;
	[tilespmem:$0xD080] =	vst v63  }
0x31: {  	s28 =	simm.s32 $0x4880  }
0x32: {  	[tilespmem:s28], [sflag:$0x1] =	stream.indirect_vreg.gather [hbm4b:s12+s3], $0x80, v4, vm0, $0xb8;
	[tilespmem:$0xD080] =	vst v63  }
0x33: {  	s29 =	simm.s32 $0x5080;
	v3 =	vperm.xlane v3, v2  }
0x34: {  	[tilespmem:s29], [sflag:$0x1] =	stream.indirect_vreg.gather [hbm4b:s13+s3], $0x80, v4, vm0, $0xb8;
	[tilespmem:$0xD080] =	vst v63  }
0x35: {  	s30 =	simm.s32 $0x5880;
	v3 =	vadd.s32 v1, v3  }
0x36: {  	[tilespmem:s30], [sflag:$0x1] =	stream.indirect_vreg.gather [hbm4b:s14+s3], $0x80, v4, vm0, $0xb8;
	[tilespmem:$0xD080] =	vst v63  }
0x37: {  	s1 =	simm.s32 $0x6080  }
0x38: {  	[tilespmem:s1], [sflag:$0x1] =	stream.indirect_vreg.gather [hbm4b:s15+s3], $0x80, v4, vm0, $0xb8;
	[tilespmem:$0xD080] =	vst v63  }
0x39: {  	s21 =	simm.s32 $0x6880  }
0x3a: {  	[tilespmem:s21], [sflag:$0x1] =	stream.indirect_vreg.gather [hbm4b:s2+s3], $0x80, v3, vm0, $0xb8;
	[tilespmem:$0xD080] =	vst v63  }
0x3b: {  	s22 =	simm.s32 $0x7080  }
0x3c: {  	[tilespmem:s22], [sflag:$0x1] =	stream.indirect_vreg.gather [hbm4b:s4+s3], $0x80, v3, vm0, $0xb8;
	[tilespmem:$0xD080] =	vst v63  }
0x3d: {  	s23 =	simm.s32 $0x7880  }
0x3e: {  	[tilespmem:s23], [sflag:$0x1] =	stream.indirect_vreg.gather [hbm4b:s5+s3], $0x80, v3, vm0, $0xb8;
	[tilespmem:$0xD080] =	vst v63  }
0x3f: {  	s24 =	simm.s32 $0x8080  }
0x40: {  	[tilespmem:s24], [sflag:$0x1] =	stream.indirect_vreg.gather [hbm4b:s6+s3], $0x80, v3, vm0, $0xb8;
	[tilespmem:$0xD080] =	vst v63  }
0x41: {  	s25 =	simm.s32 $0x8880  }
0x42: {  	[tilespmem:s25], [sflag:$0x1] =	stream.indirect_vreg.gather [hbm4b:s7+s3], $0x80, v3, vm0, $0xb8;
	[tilespmem:$0xD080] =	vst v63  }
0x43: {  	s26 =	simm.s32 $0x9080  }
0x44: {  	[tilespmem:s26], [sflag:$0x1] =	stream.indirect_vreg.gather [hbm4b:s8+s3], $0x80, v3, vm0, $0xb8;
	[tilespmem:$0xD080] =	vst v63  }
0x45: {  	s28 =	simm.s32 $0x9880  }
0x46: {  	[tilespmem:s28], [sflag:$0x1] =	stream.indirect_vreg.gather [hbm4b:s9+s3], $0x80, v3, vm0, $0xb8;
	[tilespmem:$0xD080] =	vst v63  }
0x47: {  	s29 =	simm.s32 $0xA080  }
0x48: {  	[tilespmem:s29], [sflag:$0x1] =	stream.indirect_vreg.gather [hbm4b:s10+s3], $0x80, v3, vm0, $0xb8;
	[tilespmem:$0xD080] =	vst v63  }
0x49: {  	s30 =	simm.s32 $0xA880  }
0x4a: {  	[tilespmem:s30], [sflag:$0x1] =	stream.indirect_vreg.gather [hbm4b:s11+s3], $0x80, v3, vm0, $0xb8;
	[tilespmem:$0xD080] =	vst v63  }
0x4b: {  	s1 =	simm.s32 $0xB080  }
0x4c: {  	[tilespmem:s1], [sflag:$0x1] =	stream.indirect_vreg.gather [hbm4b:s12+s3], $0x80, v3, vm0, $0xb8;
	[tilespmem:$0xD080] =	vst v63  }
0x4d: {  	s1 =	simm.s32 $0xB880  }
0x4e: {  	[tilespmem:s1], [sflag:$0x1] =	stream.indirect_vreg.gather [hbm4b:s13+s3], $0x80, v3, vm0, $0xb8;
	[tilespmem:$0xD080] =	vst v63  }
0x4f: {  	s1 =	simm.s32 $0xC080  }
0x50: {  	[tilespmem:s1], [sflag:$0x1] =	stream.indirect_vreg.gather [hbm4b:s14+s3], $0x80, v3, vm0, $0xb8;
	[tilespmem:$0xD080] =	vst v63  }
0x51: {  	s1 =	simm.s32 $0xC880  }
0x52: {  	[tilespmem:s1], [sflag:$0x1] =	stream.indirect_vreg.gather [hbm4b:s15+s3], $0x80, v3, vm0, $0xb8;
	[tilespmem:$0xD080] =	vst v63  }
0x53: {  	_ =	swait.ge [sflag:s31], $0xD000  }
0x54: {  	[sflag:s31] =	ssyncset.done $0x0  }
0x55: {  	s0 =	rddreg [dreg:$0x4];
	[sflag:s31] =	ssyncadd.s32 $0xFFFF3000  }
0x56: {  	[hbm4b:s0+s3] =	stream.linear.scatter [tilespmem:s18], [sflag:$0x2], $0xD000, $0x38;
	[tilespmem:$0xD080] =	vst v63  }
0x57: {  	_ =	swait.ge [sflag:s17], $0xD000  }
0x58: {  	[sflag:s17] =	ssyncset.done $0x0  }
0x59: {  	[sflag:s17] =	ssyncadd.s32 $0xFFFF3000  }
0x5a: {  	v3 =	vld [tilespmem:$0x10];
	_ =	sdelay $0x4  }
0x5b: {  	v57 =	vshrl.u32 v3, $0x3  }
0x5c: {  	v4 =	vmul.u32 $0xD0, v57  }
0x5d: {  	v3 =	vand.u32 $0x7, v3  }
0x5e: {  	v3 =	vor.u32 v3, v4  }
0x5f: {  	v4 =	vperm.xlane v3, v0;
	_ =	sdelay $0x1  }
0x60: {  	v4 =	vadd.s32 v1, v4;
	_ =	sdelay $0x4  }
0x61: {  	[tilespmem:s18], [sflag:$0x1] =	stream.indirect_vreg.gather [hbm4b:s2+s3], $0x80, v4, vm0, $0xb8;
	[tilespmem:$0xD080] =	vst v63  }
0x62: {  	s0 =	simm.s32 $0x880  }
0x63: {  	[tilespmem:s0], [sflag:$0x1] =	stream.indirect_vreg.gather [hbm4b:s4+s3], $0x80, v4, vm0, $0xb8;
	[tilespmem:$0xD080] =	vst v63  }
0x64: {  	s0 =	simm.s32 $0x1080  }
0x65: {  	[tilespmem:s0], [sflag:$0x1] =	stream.indirect_vreg.gather [hbm4b:s5+s3], $0x80, v4, vm0, $0xb8;
	[tilespmem:$0xD080] =	vst v63  }
0x66: {  	s0 =	simm.s32 $0x1880  }
0x67: {  	[tilespmem:s0], [sflag:$0x1] =	stream.indirect_vreg.gather [hbm4b:s6+s3], $0x80, v4, vm0, $0xb8;
	[tilespmem:$0xD080] =	vst v63  }
0x68: {  	s0 =	simm.s32 $0x2080  }
0x69: {  	[tilespmem:s0], [sflag:$0x1] =	stream.indirect_vreg.gather [hbm4b:s7+s3], $0x80, v4, vm0, $0xb8;
	[tilespmem:$0xD080] =	vst v63  }
0x6a: {  	s0 =	simm.s32 $0x2880  }
0x6b: {  	[tilespmem:s0], [sflag:$0x1] =	stream.indirect_vreg.gather [hbm4b:s8+s3], $0x80, v4, vm0, $0xb8;
	[tilespmem:$0xD080] =	vst v63  }
0x6c: {  	s0 =	simm.s32 $0x3080  }
0x6d: {  	[tilespmem:s0], [sflag:$0x1] =	stream.indirect_vreg.gather [hbm4b:s9+s3], $0x80, v4, vm0, $0xb8;
	[tilespmem:$0xD080] =	vst v63  }
0x6e: {  	s0 =	simm.s32 $0x3880  }
0x6f: {  	[tilespmem:s0], [sflag:$0x1] =	stream.indirect_vreg.gather [hbm4b:s10+s3], $0x80, v4, vm0, $0xb8;
	[tilespmem:$0xD080] =	vst v63  }
0x70: {  	s0 =	simm.s32 $0x4080  }
0x71: {  	[tilespmem:s0], [sflag:$0x1] =	stream.indirect_vreg.gather [hbm4b:s11+s3], $0x80, v4, vm0, $0xb8;
	[tilespmem:$0xD080] =	vst v63  }
0x72: {  	s19 =	simm.s32 $0x4880  }
0x73: {  	[tilespmem:s19], [sflag:$0x1] =	stream.indirect_vreg.gather [hbm4b:s12+s3], $0x80, v4, vm0, $0xb8;
	[tilespmem:$0xD080] =	vst v63  }
0x74: {  	s20 =	simm.s32 $0x5080;
	v3 =	vperm.xlane v3, v2  }
0x75: {  	[tilespmem:s20], [sflag:$0x1] =	stream.indirect_vreg.gather [hbm4b:s13+s3], $0x80, v4, vm0, $0xb8;
	[tilespmem:$0xD080] =	vst v63  }
0x76: {  	v3 =	vadd.s32 v1, v3;
	s19 =	simm.s32 $0x5880  }
0x77: {  	[tilespmem:s19], [sflag:$0x1] =	stream.indirect_vreg.gather [hbm4b:s14+s3], $0x80, v4, vm0, $0xb8;
	[tilespmem:$0xD080] =	vst v63  }
0x78: {  	s20 =	simm.s32 $0x6080  }
0x79: {  	[tilespmem:s20], [sflag:$0x1] =	stream.indirect_vreg.gather [hbm4b:s15+s3], $0x80, v4, vm0, $0xb8;
	[tilespmem:$0xD080] =	vst v63  }
0x7a: {  	s21 =	simm.s32 $0x6880  }
0x7b: {  	[tilespmem:s21], [sflag:$0x1] =	stream.indirect_vreg.gather [hbm4b:s2+s3], $0x80, v3, vm0, $0xb8;
	[tilespmem:$0xD080] =	vst v63  }
0x7c: {  	s22 =	simm.s32 $0x7080  }
0x7d: {  	[tilespmem:s22], [sflag:$0x1] =	stream.indirect_vreg.gather [hbm4b:s4+s3], $0x80, v3, vm0, $0xb8;
	[tilespmem:$0xD080] =	vst v63  }
0x7e: {  	s23 =	simm.s32 $0x7880  }
0x7f: {  	[tilespmem:s23], [sflag:$0x1] =	stream.indirect_vreg.gather [hbm4b:s5+s3], $0x80, v3, vm0, $0xb8;
	[tilespmem:$0xD080] =	vst v63  }
0x80: {  	s24 =	simm.s32 $0x8080  }
0x81: {  	[tilespmem:s24], [sflag:$0x1] =	stream.indirect_vreg.gather [hbm4b:s6+s3], $0x80, v3, vm0, $0xb8;
	[tilespmem:$0xD080] =	vst v63  }
0x82: {  	s25 =	simm.s32 $0x8880  }
0x83: {  	[tilespmem:s25], [sflag:$0x1] =	stream.indirect_vreg.gather [hbm4b:s7+s3], $0x80, v3, vm0, $0xb8;
	[tilespmem:$0xD080] =	vst v63  }
0x84: {  	s26 =	simm.s32 $0x9080  }
0x85: {  	[tilespmem:s26], [sflag:$0x1] =	stream.indirect_vreg.gather [hbm4b:s8+s3], $0x80, v3, vm0, $0xb8;
	[tilespmem:$0xD080] =	vst v63  }
0x86: {  	s28 =	simm.s32 $0x9880  }
0x87: {  	[tilespmem:s28], [sflag:$0x1] =	stream.indirect_vreg.gather [hbm4b:s9+s3], $0x80, v3, vm0, $0xb8;
	[tilespmem:$0xD080] =	vst v63  }
0x88: {  	s29 =	simm.s32 $0xA080  }
0x89: {  	[tilespmem:s29], [sflag:$0x1] =	stream.indirect_vreg.gather [hbm4b:s10+s3], $0x80, v3, vm0, $0xb8;
	[tilespmem:$0xD080] =	vst v63  }
0x8a: {  	s30 =	simm.s32 $0xA880  }
0x8b: {  	[tilespmem:s30], [sflag:$0x1] =	stream.indirect_vreg.gather [hbm4b:s11+s3], $0x80, v3, vm0, $0xb8;
	[tilespmem:$0xD080] =	vst v63  }
0x8c: {  	s29 =	simm.s32 $0xB080  }
0x8d: {  	[tilespmem:s29], [sflag:$0x1] =	stream.indirect_vreg.gather [hbm4b:s12+s3], $0x80, v3, vm0, $0xb8;
	[tilespmem:$0xD080] =	vst v63  }
0x8e: {  	s30 =	simm.s32 $0xB880  }
0x8f: {  	[tilespmem:s30], [sflag:$0x1] =	stream.indirect_vreg.gather [hbm4b:s13+s3], $0x80, v3, vm0, $0xb8;
	[tilespmem:$0xD080] =	vst v63  }
0x90: {  	s0 =	simm.s32 $0xC080  }
0x91: {  	[tilespmem:s0], [sflag:$0x1] =	stream.indirect_vreg.gather [hbm4b:s14+s3], $0x80, v3, vm0, $0xb8;
	[tilespmem:$0xD080] =	vst v63  }
0x92: {  	s1 =	simm.s32 $0xC880  }
0x93: {  	[tilespmem:s1], [sflag:$0x1] =	stream.indirect_vreg.gather [hbm4b:s15+s3], $0x80, v3, vm0, $0xb8;
	[tilespmem:$0xD080] =	vst v63  }
0x94: {  	_ =	swait.ge [sflag:s31], $0xD000  }
0x95: {  	[sflag:s31] =	ssyncset.done $0x0  }
0x96: {  	s0 =	rddreg [dreg:$0x5];
	[sflag:s31] =	ssyncadd.s32 $0xFFFF3000  }
0x97: {  	[hbm4b:s0+s3] =	stream.linear.scatter [tilespmem:s18], [sflag:$0x2], $0xD000, $0x38;
	[tilespmem:$0xD080] =	vst v63  }
0x98: {  	_ =	swait.ge [sflag:s17], $0xD000  }
0x99: {  	[sflag:s17] =	ssyncset.done $0x0  }
0x9a: {  	[sflag:s17] =	ssyncadd.s32 $0xFFFF3000  }
0x9b: {  	v3 =	vld [tilespmem:$0x20];
	_ =	sdelay $0x4  }
0x9c: {  	v58 =	vshrl.u32 v3, $0x3  }
0x9d: {  	v4 =	vmul.u32 $0xD0, v58  }
0x9e: {  	v3 =	vand.u32 $0x7, v3  }
0x9f: {  	v3 =	vor.u32 v3, v4  }
0xa0: {  	v4 =	vperm.xlane v3, v0;
	_ =	sdelay $0x1  }
0xa1: {  	v4 =	vadd.s32 v1, v4;
	_ =	sdelay $0x4  }
0xa2: {  	[tilespmem:s18], [sflag:$0x1] =	stream.indirect_vreg.gather [hbm4b:s2+s3], $0x80, v4, vm0, $0xb8;
	[tilespmem:$0xD080] =	vst v63  }
0xa3: {  	s0 =	simm.s32 $0x880  }
0xa4: {  	[tilespmem:s0], [sflag:$0x1] =	stream.indirect_vreg.gather [hbm4b:s4+s3], $0x80, v4, vm0, $0xb8;
	[tilespmem:$0xD080] =	vst v63  }
0xa5: {  	s0 =	simm.s32 $0x1080  }
0xa6: {  	[tilespmem:s0], [sflag:$0x1] =	stream.indirect_vreg.gather [hbm4b:s5+s3], $0x80, v4, vm0, $0xb8;
	[tilespmem:$0xD080] =	vst v63  }
0xa7: {  	s0 =	simm.s32 $0x1880  }
0xa8: {  	[tilespmem:s0], [sflag:$0x1] =	stream.indirect_vreg.gather [hbm4b:s6+s3], $0x80, v4, vm0, $0xb8;
	[tilespmem:$0xD080] =	vst v63  }
0xa9: {  	s0 =	simm.s32 $0x2080  }
0xaa: {  	[tilespmem:s0], [sflag:$0x1] =	stream.indirect_vreg.gather [hbm4b:s7+s3], $0x80, v4, vm0, $0xb8;
	[tilespmem:$0xD080] =	vst v63  }
0xab: {  	s0 =	simm.s32 $0x2880  }
0xac: {  	[tilespmem:s0], [sflag:$0x1] =	stream.indirect_vreg.gather [hbm4b:s8+s3], $0x80, v4, vm0, $0xb8;
	[tilespmem:$0xD080] =	vst v63  }
0xad: {  	s0 =	simm.s32 $0x3080  }
0xae: {  	[tilespmem:s0], [sflag:$0x1] =	stream.indirect_vreg.gather [hbm4b:s9+s3], $0x80, v4, vm0, $0xb8;
	[tilespmem:$0xD080] =	vst v63  }
0xaf: {  	s0 =	simm.s32 $0x3880  }
0xb0: {  	[tilespmem:s0], [sflag:$0x1] =	stream.indirect_vreg.gather [hbm4b:s10+s3], $0x80, v4, vm0, $0xb8;
	[tilespmem:$0xD080] =	vst v63  }
0xb1: {  	s0 =	simm.s32 $0x4080  }
0xb2: {  	[tilespmem:s0], [sflag:$0x1] =	stream.indirect_vreg.gather [hbm4b:s11+s3], $0x80, v4, vm0, $0xb8;
	[tilespmem:$0xD080] =	vst v63  }
0xb3: {  	s0 =	simm.s32 $0x4880  }
0xb4: {  	[tilespmem:s0], [sflag:$0x1] =	stream.indirect_vreg.gather [hbm4b:s12+s3], $0x80, v4, vm0, $0xb8;
	[tilespmem:$0xD080] =	vst v63  }
0xb5: {  	v3 =	vperm.xlane v3, v2;
	s0 =	simm.s32 $0x5080  }
0xb6: {  	[tilespmem:s0], [sflag:$0x1] =	stream.indirect_vreg.gather [hbm4b:s13+s3], $0x80, v4, vm0, $0xb8;
	[tilespmem:$0xD080] =	vst v63  }
0xb7: {  	v3 =	vadd.s32 v1, v3;
	s0 =	simm.s32 $0x5880  }
0xb8: {  	[tilespmem:s0], [sflag:$0x1] =	stream.indirect_vreg.gather [hbm4b:s14+s3], $0x80, v4, vm0, $0xb8;
	[tilespmem:$0xD080] =	vst v63  }
0xb9: {  	s0 =	simm.s32 $0x6080  }
0xba: {  	[tilespmem:s0], [sflag:$0x1] =	stream.indirect_vreg.gather [hbm4b:s15+s3], $0x80, v4, vm0, $0xb8;
	[tilespmem:$0xD080] =	vst v63  }
0xbb: {  	s19 =	simm.s32 $0x6880  }
0xbc: {  	[tilespmem:s19], [sflag:$0x1] =	stream.indirect_vreg.gather [hbm4b:s2+s3], $0x80, v3, vm0, $0xb8;
	[tilespmem:$0xD080] =	vst v63  }
0xbd: {  	s20 =	simm.s32 $0x7080  }
0xbe: {  	[tilespmem:s20], [sflag:$0x1] =	stream.indirect_vreg.gather [hbm4b:s4+s3], $0x80, v3, vm0, $0xb8;
	[tilespmem:$0xD080] =	vst v63  }
0xbf: {  	s21 =	simm.s32 $0x7880  }
0xc0: {  	[tilespmem:s21], [sflag:$0x1] =	stream.indirect_vreg.gather [hbm4b:s5+s3], $0x80, v3, vm0, $0xb8;
	[tilespmem:$0xD080] =	vst v63  }
0xc1: {  	s22 =	simm.s32 $0x8080  }
0xc2: {  	[tilespmem:s22], [sflag:$0x1] =	stream.indirect_vreg.gather [hbm4b:s6+s3], $0x80, v3, vm0, $0xb8;
	[tilespmem:$0xD080] =	vst v63  }
0xc3: {  	s23 =	simm.s32 $0x8880  }
0xc4: {  	[tilespmem:s23], [sflag:$0x1] =	stream.indirect_vreg.gather [hbm4b:s7+s3], $0x80, v3, vm0, $0xb8;
	[tilespmem:$0xD080] =	vst v63  }
0xc5: {  	s24 =	simm.s32 $0x9080  }
0xc6: {  	[tilespmem:s24], [sflag:$0x1] =	stream.indirect_vreg.gather [hbm4b:s8+s3], $0x80, v3, vm0, $0xb8;
	[tilespmem:$0xD080] =	vst v63  }
0xc7: {  	s25 =	simm.s32 $0x9880  }
0xc8: {  	[tilespmem:s25], [sflag:$0x1] =	stream.indirect_vreg.gather [hbm4b:s9+s3], $0x80, v3, vm0, $0xb8;
	[tilespmem:$0xD080] =	vst v63  }
0xc9: {  	s26 =	simm.s32 $0xA080  }
0xca: {  	[tilespmem:s26], [sflag:$0x1] =	stream.indirect_vreg.gather [hbm4b:s10+s3], $0x80, v3, vm0, $0xb8;
	[tilespmem:$0xD080] =	vst v63  }
0xcb: {  	s28 =	simm.s32 $0xA880  }
0xcc: {  	[tilespmem:s28], [sflag:$0x1] =	stream.indirect_vreg.gather [hbm4b:s11+s3], $0x80, v3, vm0, $0xb8;
	[tilespmem:$0xD080] =	vst v63  }
0xcd: {  	s29 =	simm.s32 $0xB080  }
0xce: {  	[tilespmem:s29], [sflag:$0x1] =	stream.indirect_vreg.gather [hbm4b:s12+s3], $0x80, v3, vm0, $0xb8;
	[tilespmem:$0xD080] =	vst v63  }
0xcf: {  	s30 =	simm.s32 $0xB880  }
0xd0: {  	[tilespmem:s30], [sflag:$0x1] =	stream.indirect_vreg.gather [hbm4b:s13+s3], $0x80, v3, vm0, $0xb8;
	[tilespmem:$0xD080] =	vst v63  }
0xd1: {  	s0 =	simm.s32 $0xC080  }
0xd2: {  	[tilespmem:s0], [sflag:$0x1] =	stream.indirect_vreg.gather [hbm4b:s14+s3], $0x80, v3, vm0, $0xb8;
	[tilespmem:$0xD080] =	vst v63  }
0xd3: {  	s1 =	simm.s32 $0xC880  }
0xd4: {  	[tilespmem:s1], [sflag:$0x1] =	stream.indirect_vreg.gather [hbm4b:s15+s3], $0x80, v3, vm0, $0xb8;
	[tilespmem:$0xD080] =	vst v63  }
0xd5: {  	_ =	swait.ge [sflag:s31], $0xD000  }
0xd6: {  	[sflag:s31] =	ssyncset.done $0x0  }
0xd7: {  	s0 =	rddreg [dreg:$0x6];
	[sflag:s31] =	ssyncadd.s32 $0xFFFF3000  }
0xd8: {  	[hbm4b:s0+s3] =	stream.linear.scatter [tilespmem:s18], [sflag:$0x2], $0xD000, $0x38;
	[tilespmem:$0xD080] =	vst v63  }
0xd9: {  	_ =	swait.ge [sflag:s17], $0xD000  }
0xda: {  	[sflag:s17] =	ssyncset.done $0x0  }
0xdb: {  	[sflag:s17] =	ssyncadd.s32 $0xFFFF3000  }
0xdc: {  	v3 =	vld [tilespmem:$0x30];
	_ =	sdelay $0x4  }
0xdd: {  	v59 =	vshrl.u32 v3, $0x3  }
0xde: {  	v4 =	vmul.u32 $0xD0, v59  }
0xdf: {  	v3 =	vand.u32 $0x7, v3  }
0xe0: {  	v3 =	vor.u32 v3, v4  }
0xe1: {  	v4 =	vperm.xlane v3, v0;
	_ =	sdelay $0x1  }
0xe2: {  	v4 =	vadd.s32 v1, v4;
	_ =	sdelay $0x4  }
0xe3: {  	[tilespmem:s18], [sflag:$0x1] =	stream.indirect_vreg.gather [hbm4b:s2+s3], $0x80, v4, vm0, $0xb8;
	[tilespmem:$0xD080] =	vst v63  }
0xe4: {  	s0 =	simm.s32 $0x880  }
0xe5: {  	[tilespmem:s0], [sflag:$0x1] =	stream.indirect_vreg.gather [hbm4b:s4+s3], $0x80, v4, vm0, $0xb8;
	[tilespmem:$0xD080] =	vst v63  }
0xe6: {  	s0 =	simm.s32 $0x1080  }
0xe7: {  	[tilespmem:s0], [sflag:$0x1] =	stream.indirect_vreg.gather [hbm4b:s5+s3], $0x80, v4, vm0, $0xb8;
	[tilespmem:$0xD080] =	vst v63  }
0xe8: {  	s0 =	simm.s32 $0x1880  }
0xe9: {  	[tilespmem:s0], [sflag:$0x1] =	stream.indirect_vreg.gather [hbm4b:s6+s3], $0x80, v4, vm0, $0xb8;
	[tilespmem:$0xD080] =	vst v63  }
0xea: {  	s0 =	simm.s32 $0x2080  }
0xeb: {  	[tilespmem:s0], [sflag:$0x1] =	stream.indirect_vreg.gather [hbm4b:s7+s3], $0x80, v4, vm0, $0xb8;
	[tilespmem:$0xD080] =	vst v63  }
0xec: {  	s0 =	simm.s32 $0x2880  }
0xed: {  	[tilespmem:s0], [sflag:$0x1] =	stream.indirect_vreg.gather [hbm4b:s8+s3], $0x80, v4, vm0, $0xb8;
	[tilespmem:$0xD080] =	vst v63  }
0xee: {  	s0 =	simm.s32 $0x3080  }
0xef: {  	[tilespmem:s0], [sflag:$0x1] =	stream.indirect_vreg.gather [hbm4b:s9+s3], $0x80, v4, vm0, $0xb8;
	[tilespmem:$0xD080] =	vst v63  }
0xf0: {  	s0 =	simm.s32 $0x3880  }
0xf1: {  	[tilespmem:s0], [sflag:$0x1] =	stream.indirect_vreg.gather [hbm4b:s10+s3], $0x80, v4, vm0, $0xb8;
	[tilespmem:$0xD080] =	vst v63  }
0xf2: {  	s0 =	simm.s32 $0x4080  }
0xf3: {  	[tilespmem:s0], [sflag:$0x1] =	stream.indirect_vreg.gather [hbm4b:s11+s3], $0x80, v4, vm0, $0xb8;
	[tilespmem:$0xD080] =	vst v63  }
0xf4: {  	s0 =	simm.s32 $0x4880  }
0xf5: {  	[tilespmem:s0], [sflag:$0x1] =	stream.indirect_vreg.gather [hbm4b:s12+s3], $0x80, v4, vm0, $0xb8;
	[tilespmem:$0xD080] =	vst v63  }
0xf6: {  	v3 =	vperm.xlane v3, v2;
	s0 =	simm.s32 $0x5080  }
0xf7: {  	[tilespmem:s0], [sflag:$0x1] =	stream.indirect_vreg.gather [hbm4b:s13+s3], $0x80, v4, vm0, $0xb8;
	[tilespmem:$0xD080] =	vst v63  }
0xf8: {  	v3 =	vadd.s32 v1, v3;
	s0 =	simm.s32 $0x5880  }
0xf9: {  	[tilespmem:s0], [sflag:$0x1] =	stream.indirect_vreg.gather [hbm4b:s14+s3], $0x80, v4, vm0, $0xb8;
	[tilespmem:$0xD080] =	vst v63  }
0xfa: {  	s0 =	simm.s32 $0x6080  }
0xfb: {  	[tilespmem:s0], [sflag:$0x1] =	stream.indirect_vreg.gather [hbm4b:s15+s3], $0x80, v4, vm0, $0xb8;
	[tilespmem:$0xD080] =	vst v63  }
0xfc: {  	s19 =	simm.s32 $0x6880  }
0xfd: {  	[tilespmem:s19], [sflag:$0x1] =	stream.indirect_vreg.gather [hbm4b:s2+s3], $0x80, v3, vm0, $0xb8;
	[tilespmem:$0xD080] =	vst v63  }
0xfe: {  	s20 =	simm.s32 $0x7080  }
0xff: {  	[tilespmem:s20], [sflag:$0x1] =	stream.indirect_vreg.gather [hbm4b:s4+s3], $0x80, v3, vm0, $0xb8;
	[tilespmem:$0xD080] =	vst v63  }
0x100: {  	s21 =	simm.s32 $0x7880  }
0x101: {  	[tilespmem:s21], [sflag:$0x1] =	stream.indirect_vreg.gather [hbm4b:s5+s3], $0x80, v3, vm0, $0xb8;
	[tilespmem:$0xD080] =	vst v63  }
0x102: {  	s22 =	simm.s32 $0x8080  }
0x103: {  	[tilespmem:s22], [sflag:$0x1] =	stream.indirect_vreg.gather [hbm4b:s6+s3], $0x80, v3, vm0, $0xb8;
	[tilespmem:$0xD080] =	vst v63  }
0x104: {  	s23 =	simm.s32 $0x8880  }
0x105: {  	[tilespmem:s23], [sflag:$0x1] =	stream.indirect_vreg.gather [hbm4b:s7+s3], $0x80, v3, vm0, $0xb8;
	[tilespmem:$0xD080] =	vst v63  }
0x106: {  	s24 =	simm.s32 $0x9080  }
0x107: {  	[tilespmem:s24], [sflag:$0x1] =	stream.indirect_vreg.gather [hbm4b:s8+s3], $0x80, v3, vm0, $0xb8;
	[tilespmem:$0xD080] =	vst v63  }
0x108: {  	s25 =	simm.s32 $0x9880  }
0x109: {  	[tilespmem:s25], [sflag:$0x1] =	stream.indirect_vreg.gather [hbm4b:s9+s3], $0x80, v3, vm0, $0xb8;
	[tilespmem:$0xD080] =	vst v63  }
0x10a: {  	s26 =	simm.s32 $0xA080  }
0x10b: {  	[tilespmem:s26], [sflag:$0x1] =	stream.indirect_vreg.gather [hbm4b:s10+s3], $0x80, v3, vm0, $0xb8;
	[tilespmem:$0xD080] =	vst v63  }
0x10c: {  	s28 =	simm.s32 $0xA880  }
0x10d: {  	[tilespmem:s28], [sflag:$0x1] =	stream.indirect_vreg.gather [hbm4b:s11+s3], $0x80, v3, vm0, $0xb8;
	[tilespmem:$0xD080] =	vst v63  }
0x10e: {  	s29 =	simm.s32 $0xB080  }
0x10f: {  	[tilespmem:s29], [sflag:$0x1] =	stream.indirect_vreg.gather [hbm4b:s12+s3], $0x80, v3, vm0, $0xb8;
	[tilespmem:$0xD080] =	vst v63  }
0x110: {  	s30 =	simm.s32 $0xB880  }
0x111: {  	[tilespmem:s30], [sflag:$0x1] =	stream.indirect_vreg.gather [hbm4b:s13+s3], $0x80, v3, vm0, $0xb8;
	[tilespmem:$0xD080] =	vst v63  }
0x112: {  	s0 =	simm.s32 $0xC080  }
0x113: {  	[tilespmem:s0], [sflag:$0x1] =	stream.indirect_vreg.gather [hbm4b:s14+s3], $0x80, v3, vm0, $0xb8;
	[tilespmem:$0xD080] =	vst v63  }
0x114: {  	s1 =	simm.s32 $0xC880  }
0x115: {  	[tilespmem:s1], [sflag:$0x1] =	stream.indirect_vreg.gather [hbm4b:s15+s3], $0x80, v3, vm0, $0xb8;
	[tilespmem:$0xD080] =	vst v63  }
0x116: {  	_ =	swait.ge [sflag:s31], $0xD000  }
0x117: {  	[sflag:s31] =	ssyncset.done $0x0  }
0x118: {  	s0 =	rddreg [dreg:$0x7];
	[sflag:s31] =	ssyncadd.s32 $0xFFFF3000  }
0x119: {  	[hbm4b:s0+s3] =	stream.linear.scatter [tilespmem:s18], [sflag:$0x2], $0xD000, $0x38;
	[tilespmem:$0xD080] =	vst v63  }
0x11a: {  	_ =	swait.ge [sflag:s17], $0xD000  }
0x11b: {  	[sflag:s17] =	ssyncset.done $0x0  }
0x11c: {  	[sflag:s17] =	ssyncadd.s32 $0xFFFF3000  }
0x11d: {  	v3 =	vld [tilespmem:$0x40];
	_ =	sdelay $0x4  }
0x11e: {  	v60 =	vshrl.u32 v3, $0x3  }
0x11f: {  	v4 =	vmul.u32 $0xD0, v60  }
0x120: {  	v3 =	vand.u32 $0x7, v3  }
0x121: {  	v3 =	vor.u32 v3, v4  }
0x122: {  	v4 =	vperm.xlane v3, v0;
	_ =	sdelay $0x1  }
0x123: {  	v4 =	vadd.s32 v1, v4;
	_ =	sdelay $0x4  }
0x124: {  	[tilespmem:s18], [sflag:$0x1] =	stream.indirect_vreg.gather [hbm4b:s2+s3], $0x80, v4, vm0, $0xb8;
	[tilespmem:$0xD080] =	vst v63  }
0x125: {  	s0 =	simm.s32 $0x880  }
0x126: {  	[tilespmem:s0], [sflag:$0x1] =	stream.indirect_vreg.gather [hbm4b:s4+s3], $0x80, v4, vm0, $0xb8;
	[tilespmem:$0xD080] =	vst v63  }
0x127: {  	s0 =	simm.s32 $0x1080  }
0x128: {  	[tilespmem:s0], [sflag:$0x1] =	stream.indirect_vreg.gather [hbm4b:s5+s3], $0x80, v4, vm0, $0xb8;
	[tilespmem:$0xD080] =	vst v63  }
0x129: {  	s0 =	simm.s32 $0x1880  }
0x12a: {  	[tilespmem:s0], [sflag:$0x1] =	stream.indirect_vreg.gather [hbm4b:s6+s3], $0x80, v4, vm0, $0xb8;
	[tilespmem:$0xD080] =	vst v63  }
0x12b: {  	s0 =	simm.s32 $0x2080  }
0x12c: {  	[tilespmem:s0], [sflag:$0x1] =	stream.indirect_vreg.gather [hbm4b:s7+s3], $0x80, v4, vm0, $0xb8;
	[tilespmem:$0xD080] =	vst v63  }
0x12d: {  	s0 =	simm.s32 $0x2880  }
0x12e: {  	[tilespmem:s0], [sflag:$0x1] =	stream.indirect_vreg.gather [hbm4b:s8+s3], $0x80, v4, vm0, $0xb8;
	[tilespmem:$0xD080] =	vst v63  }
0x12f: {  	s0 =	simm.s32 $0x3080  }
0x130: {  	[tilespmem:s0], [sflag:$0x1] =	stream.indirect_vreg.gather [hbm4b:s9+s3], $0x80, v4, vm0, $0xb8;
	[tilespmem:$0xD080] =	vst v63  }
0x131: {  	s0 =	simm.s32 $0x3880  }
0x132: {  	[tilespmem:s0], [sflag:$0x1] =	stream.indirect_vreg.gather [hbm4b:s10+s3], $0x80, v4, vm0, $0xb8;
	[tilespmem:$0xD080] =	vst v63  }
0x133: {  	s0 =	simm.s32 $0x4080  }
0x134: {  	[tilespmem:s0], [sflag:$0x1] =	stream.indirect_vreg.gather [hbm4b:s11+s3], $0x80, v4, vm0, $0xb8;
	[tilespmem:$0xD080] =	vst v63  }
0x135: {  	s0 =	simm.s32 $0x4880  }
0x136: {  	[tilespmem:s0], [sflag:$0x1] =	stream.indirect_vreg.gather [hbm4b:s12+s3], $0x80, v4, vm0, $0xb8;
	[tilespmem:$0xD080] =	vst v63  }
0x137: {  	v3 =	vperm.xlane v3, v2;
	s0 =	simm.s32 $0x5080  }
0x138: {  	[tilespmem:s0], [sflag:$0x1] =	stream.indirect_vreg.gather [hbm4b:s13+s3], $0x80, v4, vm0, $0xb8;
	[tilespmem:$0xD080] =	vst v63  }
0x139: {  	v3 =	vadd.s32 v1, v3;
	s0 =	simm.s32 $0x5880  }
0x13a: {  	[tilespmem:s0], [sflag:$0x1] =	stream.indirect_vreg.gather [hbm4b:s14+s3], $0x80, v4, vm0, $0xb8;
	[tilespmem:$0xD080] =	vst v63  }
0x13b: {  	s0 =	simm.s32 $0x6080  }
0x13c: {  	[tilespmem:s0], [sflag:$0x1] =	stream.indirect_vreg.gather [hbm4b:s15+s3], $0x80, v4, vm0, $0xb8;
	[tilespmem:$0xD080] =	vst v63  }
0x13d: {  	s19 =	simm.s32 $0x6880  }
0x13e: {  	[tilespmem:s19], [sflag:$0x1] =	stream.indirect_vreg.gather [hbm4b:s2+s3], $0x80, v3, vm0, $0xb8;
	[tilespmem:$0xD080] =	vst v63  }
0x13f: {  	s20 =	simm.s32 $0x7080  }
0x140: {  	[tilespmem:s20], [sflag:$0x1] =	stream.indirect_vreg.gather [hbm4b:s4+s3], $0x80, v3, vm0, $0xb8;
	[tilespmem:$0xD080] =	vst v63  }
0x141: {  	s21 =	simm.s32 $0x7880  }
0x142: {  	[tilespmem:s21], [sflag:$0x1] =	stream.indirect_vreg.gather [hbm4b:s5+s3], $0x80, v3, vm0, $0xb8;
	[tilespmem:$0xD080] =	vst v63  }
0x143: {  	s22 =	simm.s32 $0x8080  }
0x144: {  	[tilespmem:s22], [sflag:$0x1] =	stream.indirect_vreg.gather [hbm4b:s6+s3], $0x80, v3, vm0, $0xb8;
	[tilespmem:$0xD080] =	vst v63  }
0x145: {  	s23 =	simm.s32 $0x8880  }
0x146: {  	[tilespmem:s23], [sflag:$0x1] =	stream.indirect_vreg.gather [hbm4b:s7+s3], $0x80, v3, vm0, $0xb8;
	[tilespmem:$0xD080] =	vst v63  }
0x147: {  	s24 =	simm.s32 $0x9080  }
0x148: {  	[tilespmem:s24], [sflag:$0x1] =	stream.indirect_vreg.gather [hbm4b:s8+s3], $0x80, v3, vm0, $0xb8;
	[tilespmem:$0xD080] =	vst v63  }
0x149: {  	s25 =	simm.s32 $0x9880  }
0x14a: {  	[tilespmem:s25], [sflag:$0x1] =	stream.indirect_vreg.gather [hbm4b:s9+s3], $0x80, v3, vm0, $0xb8;
	[tilespmem:$0xD080] =	vst v63  }
0x14b: {  	s26 =	simm.s32 $0xA080  }
0x14c: {  	[tilespmem:s26], [sflag:$0x1] =	stream.indirect_vreg.gather [hbm4b:s10+s3], $0x80, v3, vm0, $0xb8;
	[tilespmem:$0xD080] =	vst v63  }
0x14d: {  	s28 =	simm.s32 $0xA880  }
0x14e: {  	[tilespmem:s28], [sflag:$0x1] =	stream.indirect_vreg.gather [hbm4b:s11+s3], $0x80, v3, vm0, $0xb8;
	[tilespmem:$0xD080] =	vst v63  }
0x14f: {  	s29 =	simm.s32 $0xB080  }
0x150: {  	[tilespmem:s29], [sflag:$0x1] =	stream.indirect_vreg.gather [hbm4b:s12+s3], $0x80, v3, vm0, $0xb8;
	[tilespmem:$0xD080] =	vst v63  }
0x151: {  	s30 =	simm.s32 $0xB880  }
0x152: {  	[tilespmem:s30], [sflag:$0x1] =	stream.indirect_vreg.gather [hbm4b:s13+s3], $0x80, v3, vm0, $0xb8;
	[tilespmem:$0xD080] =	vst v63  }
0x153: {  	s0 =	simm.s32 $0xC080  }
0x154: {  	[tilespmem:s0], [sflag:$0x1] =	stream.indirect_vreg.gather [hbm4b:s14+s3], $0x80, v3, vm0, $0xb8;
	[tilespmem:$0xD080] =	vst v63  }
0x155: {  	s1 =	simm.s32 $0xC880  }
0x156: {  	[tilespmem:s1], [sflag:$0x1] =	stream.indirect_vreg.gather [hbm4b:s15+s3], $0x80, v3, vm0, $0xb8;
	[tilespmem:$0xD080] =	vst v63  }
0x157: {  	_ =	swait.ge [sflag:s31], $0xD000  }
0x158: {  	[sflag:s31] =	ssyncset.done $0x0  }
0x159: {  	s0 =	rddreg [dreg:$0x8];
	[sflag:s31] =	ssyncadd.s32 $0xFFFF3000  }
0x15a: {  	[hbm4b:s0+s3] =	stream.linear.scatter [tilespmem:s18], [sflag:$0x2], $0xD000, $0x38;
	[tilespmem:$0xD080] =	vst v63  }
0x15b: {  	_ =	swait.ge [sflag:s17], $0xD000  }
0x15c: {  	[sflag:s17] =	ssyncset.done $0x0  }
0x15d: {  	[sflag:s17] =	ssyncadd.s32 $0xFFFF3000  }
0x15e: {  	v3 =	vld [tilespmem:$0x50];
	_ =	sdelay $0x4  }
0x15f: {  	v61 =	vshrl.u32 v3, $0x3  }
0x160: {  	v4 =	vmul.u32 $0xD0, v61  }
0x161: {  	v3 =	vand.u32 $0x7, v3  }
0x162: {  	v3 =	vor.u32 v3, v4  }
0x163: {  	v4 =	vperm.xlane v3, v0;
	_ =	sdelay $0x1  }
0x164: {  	v4 =	vadd.s32 v1, v4;
	_ =	sdelay $0x4  }
0x165: {  	[tilespmem:s18], [sflag:$0x1] =	stream.indirect_vreg.gather [hbm4b:s2+s3], $0x80, v4, vm0, $0xb8;
	[tilespmem:$0xD080] =	vst v63  }
0x166: {  	s0 =	simm.s32 $0x880  }
0x167: {  	[tilespmem:s0], [sflag:$0x1] =	stream.indirect_vreg.gather [hbm4b:s4+s3], $0x80, v4, vm0, $0xb8;
	[tilespmem:$0xD080] =	vst v63  }
0x168: {  	s0 =	simm.s32 $0x1080  }
0x169: {  	[tilespmem:s0], [sflag:$0x1] =	stream.indirect_vreg.gather [hbm4b:s5+s3], $0x80, v4, vm0, $0xb8;
	[tilespmem:$0xD080] =	vst v63  }
0x16a: {  	s0 =	simm.s32 $0x1880  }
0x16b: {  	[tilespmem:s0], [sflag:$0x1] =	stream.indirect_vreg.gather [hbm4b:s6+s3], $0x80, v4, vm0, $0xb8;
	[tilespmem:$0xD080] =	vst v63  }
0x16c: {  	s0 =	simm.s32 $0x2080  }
0x16d: {  	[tilespmem:s0], [sflag:$0x1] =	stream.indirect_vreg.gather [hbm4b:s7+s3], $0x80, v4, vm0, $0xb8;
	[tilespmem:$0xD080] =	vst v63  }
0x16e: {  	s0 =	simm.s32 $0x2880  }
0x16f: {  	[tilespmem:s0], [sflag:$0x1] =	stream.indirect_vreg.gather [hbm4b:s8+s3], $0x80, v4, vm0, $0xb8;
	[tilespmem:$0xD080] =	vst v63  }
0x170: {  	s0 =	simm.s32 $0x3080  }
0x171: {  	[tilespmem:s0], [sflag:$0x1] =	stream.indirect_vreg.gather [hbm4b:s9+s3], $0x80, v4, vm0, $0xb8;
	[tilespmem:$0xD080] =	vst v63  }
0x172: {  	s0 =	simm.s32 $0x3880  }
0x173: {  	[tilespmem:s0], [sflag:$0x1] =	stream.indirect_vreg.gather [hbm4b:s10+s3], $0x80, v4, vm0, $0xb8;
	[tilespmem:$0xD080] =	vst v63  }
0x174: {  	s0 =	simm.s32 $0x4080  }
0x175: {  	[tilespmem:s0], [sflag:$0x1] =	stream.indirect_vreg.gather [hbm4b:s11+s3], $0x80, v4, vm0, $0xb8;
	[tilespmem:$0xD080] =	vst v63  }
0x176: {  	s0 =	simm.s32 $0x4880  }
0x177: {  	[tilespmem:s0], [sflag:$0x1] =	stream.indirect_vreg.gather [hbm4b:s12+s3], $0x80, v4, vm0, $0xb8;
	[tilespmem:$0xD080] =	vst v63  }
0x178: {  	v3 =	vperm.xlane v3, v2;
	s0 =	simm.s32 $0x5080  }
0x179: {  	[tilespmem:s0], [sflag:$0x1] =	stream.indirect_vreg.gather [hbm4b:s13+s3], $0x80, v4, vm0, $0xb8;
	[tilespmem:$0xD080] =	vst v63  }
0x17a: {  	v3 =	vadd.s32 v1, v3;
	s0 =	simm.s32 $0x5880  }
0x17b: {  	[tilespmem:s0], [sflag:$0x1] =	stream.indirect_vreg.gather [hbm4b:s14+s3], $0x80, v4, vm0, $0xb8;
	[tilespmem:$0xD080] =	vst v63  }
0x17c: {  	s0 =	simm.s32 $0x6080  }
0x17d: {  	[tilespmem:s0], [sflag:$0x1] =	stream.indirect_vreg.gather [hbm4b:s15+s3], $0x80, v4, vm0, $0xb8;
	[tilespmem:$0xD080] =	vst v63  }
0x17e: {  	s19 =	simm.s32 $0x6880  }
0x17f: {  	[tilespmem:s19], [sflag:$0x1] =	stream.indirect_vreg.gather [hbm4b:s2+s3], $0x80, v3, vm0, $0xb8;
	[tilespmem:$0xD080] =	vst v63  }
0x180: {  	s20 =	simm.s32 $0x7080  }
0x181: {  	[tilespmem:s20], [sflag:$0x1] =	stream.indirect_vreg.gather [hbm4b:s4+s3], $0x80, v3, vm0, $0xb8;
	[tilespmem:$0xD080] =	vst v63  }
0x182: {  	s21 =	simm.s32 $0x7880  }
0x183: {  	[tilespmem:s21], [sflag:$0x1] =	stream.indirect_vreg.gather [hbm4b:s5+s3], $0x80, v3, vm0, $0xb8;
	[tilespmem:$0xD080] =	vst v63  }
0x184: {  	s22 =	simm.s32 $0x8080  }
0x185: {  	[tilespmem:s22], [sflag:$0x1] =	stream.indirect_vreg.gather [hbm4b:s6+s3], $0x80, v3, vm0, $0xb8;
	[tilespmem:$0xD080] =	vst v63  }
0x186: {  	s23 =	simm.s32 $0x8880  }
0x187: {  	[tilespmem:s23], [sflag:$0x1] =	stream.indirect_vreg.gather [hbm4b:s7+s3], $0x80, v3, vm0, $0xb8;
	[tilespmem:$0xD080] =	vst v63  }
0x188: {  	s24 =	simm.s32 $0x9080  }
0x189: {  	[tilespmem:s24], [sflag:$0x1] =	stream.indirect_vreg.gather [hbm4b:s8+s3], $0x80, v3, vm0, $0xb8;
	[tilespmem:$0xD080] =	vst v63  }
0x18a: {  	s25 =	simm.s32 $0x9880  }
0x18b: {  	[tilespmem:s25], [sflag:$0x1] =	stream.indirect_vreg.gather [hbm4b:s9+s3], $0x80, v3, vm0, $0xb8;
	[tilespmem:$0xD080] =	vst v63  }
0x18c: {  	s26 =	simm.s32 $0xA080  }
0x18d: {  	[tilespmem:s26], [sflag:$0x1] =	stream.indirect_vreg.gather [hbm4b:s10+s3], $0x80, v3, vm0, $0xb8;
	[tilespmem:$0xD080] =	vst v63  }
0x18e: {  	s28 =	simm.s32 $0xA880  }
0x18f: {  	[tilespmem:s28], [sflag:$0x1] =	stream.indirect_vreg.gather [hbm4b:s11+s3], $0x80, v3, vm0, $0xb8;
	[tilespmem:$0xD080] =	vst v63  }
0x190: {  	s29 =	simm.s32 $0xB080  }
0x191: {  	[tilespmem:s29], [sflag:$0x1] =	stream.indirect_vreg.gather [hbm4b:s12+s3], $0x80, v3, vm0, $0xb8;
	[tilespmem:$0xD080] =	vst v63  }
0x192: {  	s30 =	simm.s32 $0xB880  }
0x193: {  	[tilespmem:s30], [sflag:$0x1] =	stream.indirect_vreg.gather [hbm4b:s13+s3], $0x80, v3, vm0, $0xb8;
	[tilespmem:$0xD080] =	vst v63  }
0x194: {  	s0 =	simm.s32 $0xC080  }
0x195: {  	[tilespmem:s0], [sflag:$0x1] =	stream.indirect_vreg.gather [hbm4b:s14+s3], $0x80, v3, vm0, $0xb8;
	[tilespmem:$0xD080] =	vst v63  }
0x196: {  	s1 =	simm.s32 $0xC880  }
0x197: {  	[tilespmem:s1], [sflag:$0x1] =	stream.indirect_vreg.gather [hbm4b:s15+s3], $0x80, v3, vm0, $0xb8;
	[tilespmem:$0xD080] =	vst v63  }
0x198: {  	_ =	swait.ge [sflag:s31], $0xD000  }
0x199: {  	[sflag:s31] =	ssyncset.done $0x0  }
0x19a: {  	s1 =	rddreg [dreg:$0x9];
	[sflag:s31] =	ssyncadd.s32 $0xFFFF3000  }
0x19b: {  	[hbm4b:s1+s3] =	stream.linear.scatter [tilespmem:s18], [sflag:$0x2], $0xD000, $0x38;
	[tilespmem:$0xD080] =	vst v63  }
0x19c: {  	_ =	swait.ge [sflag:s17], $0xD000  }
0x19d: {  	[sflag:s17] =	ssyncset.done $0x0  }
0x19e: {  	[sflag:s17] =	ssyncadd.s32 $0xFFFF3000  }
0x19f: {  	v3 =	vld [tilespmem:$0x60];
	_ =	sdelay $0x4  }
0x1a0: {  	v62 =	vshrl.u32 v3, $0x3  }
0x1a1: {  	v4 =	vmul.u32 $0xD0, v62  }
0x1a2: {  	v3 =	vand.u32 $0x7, v3  }
0x1a3: {  	v3 =	vor.u32 v3, v4  }
0x1a4: {  	v4 =	vperm.xlane v3, v0;
	_ =	sdelay $0x1  }
0x1a5: {  	v4 =	vadd.s32 v1, v4;
	_ =	sdelay $0x4  }
0x1a6: {  	[tilespmem:s18], [sflag:$0x1] =	stream.indirect_vreg.gather [hbm4b:s2+s3], $0x80, v4, vm0, $0xb8;
	[tilespmem:$0xD080] =	vst v63  }
0x1a7: {  	s1 =	simm.s32 $0x880  }
0x1a8: {  	[tilespmem:s1], [sflag:$0x1] =	stream.indirect_vreg.gather [hbm4b:s4+s3], $0x80, v4, vm0, $0xb8;
	[tilespmem:$0xD080] =	vst v63  }
0x1a9: {  	s1 =	simm.s32 $0x1080  }
0x1aa: {  	[tilespmem:s1], [sflag:$0x1] =	stream.indirect_vreg.gather [hbm4b:s5+s3], $0x80, v4, vm0, $0xb8;
	[tilespmem:$0xD080] =	vst v63  }
0x1ab: {  	s1 =	simm.s32 $0x1880  }
0x1ac: {  	[tilespmem:s1], [sflag:$0x1] =	stream.indirect_vreg.gather [hbm4b:s6+s3], $0x80, v4, vm0, $0xb8;
	[tilespmem:$0xD080] =	vst v63  }
0x1ad: {  	s1 =	simm.s32 $0x2080  }
0x1ae: {  	[tilespmem:s1], [sflag:$0x1] =	stream.indirect_vreg.gather [hbm4b:s7+s3], $0x80, v4, vm0, $0xb8;
	[tilespmem:$0xD080] =	vst v63  }
0x1af: {  	s1 =	simm.s32 $0x2880  }
0x1b0: {  	[tilespmem:s1], [sflag:$0x1] =	stream.indirect_vreg.gather [hbm4b:s8+s3], $0x80, v4, vm0, $0xb8;
	[tilespmem:$0xD080] =	vst v63  }
0x1b1: {  	s1 =	simm.s32 $0x3080  }
0x1b2: {  	[tilespmem:s1], [sflag:$0x1] =	stream.indirect_vreg.gather [hbm4b:s9+s3], $0x80, v4, vm0, $0xb8;
	[tilespmem:$0xD080] =	vst v63  }
0x1b3: {  	s1 =	simm.s32 $0x3880  }
0x1b4: {  	[tilespmem:s1], [sflag:$0x1] =	stream.indirect_vreg.gather [hbm4b:s10+s3], $0x80, v4, vm0, $0xb8;
	[tilespmem:$0xD080] =	vst v63  }
0x1b5: {  	s1 =	simm.s32 $0x4080  }
0x1b6: {  	[tilespmem:s1], [sflag:$0x1] =	stream.indirect_vreg.gather [hbm4b:s11+s3], $0x80, v4, vm0, $0xb8;
	[tilespmem:$0xD080] =	vst v63  }
0x1b7: {  	s1 =	simm.s32 $0x4880  }
0x1b8: {  	[tilespmem:s1], [sflag:$0x1] =	stream.indirect_vreg.gather [hbm4b:s12+s3], $0x80, v4, vm0, $0xb8;
	[tilespmem:$0xD080] =	vst v63  }
0x1b9: {  	v3 =	vperm.xlane v3, v2;
	s1 =	simm.s32 $0x5080  }
0x1ba: {  	[tilespmem:s1], [sflag:$0x1] =	stream.indirect_vreg.gather [hbm4b:s13+s3], $0x80, v4, vm0, $0xb8;
	[tilespmem:$0xD080] =	vst v63  }
0x1bb: {  	v3 =	vadd.s32 v1, v3;
	s1 =	simm.s32 $0x5880  }
0x1bc: {  	[tilespmem:s1], [sflag:$0x1] =	stream.indirect_vreg.gather [hbm4b:s14+s3], $0x80, v4, vm0, $0xb8;
	[tilespmem:$0xD080] =	vst v63  }
0x1bd: {  	s1 =	simm.s32 $0x6080  }
0x1be: {  	[tilespmem:s1], [sflag:$0x1] =	stream.indirect_vreg.gather [hbm4b:s15+s3], $0x80, v4, vm0, $0xb8;
	[tilespmem:$0xD080] =	vst v63  }
0x1bf: {  	s19 =	simm.s32 $0x6880  }
0x1c0: {  	[tilespmem:s19], [sflag:$0x1] =	stream.indirect_vreg.gather [hbm4b:s2+s3], $0x80, v3, vm0, $0xb8;
	[tilespmem:$0xD080] =	vst v63  }
0x1c1: {  	s20 =	simm.s32 $0x7080  }
0x1c2: {  	[tilespmem:s20], [sflag:$0x1] =	stream.indirect_vreg.gather [hbm4b:s4+s3], $0x80, v3, vm0, $0xb8;
	[tilespmem:$0xD080] =	vst v63  }
0x1c3: {  	s21 =	simm.s32 $0x7880  }
0x1c4: {  	[tilespmem:s21], [sflag:$0x1] =	stream.indirect_vreg.gather [hbm4b:s5+s3], $0x80, v3, vm0, $0xb8;
	[tilespmem:$0xD080] =	vst v63  }
0x1c5: {  	s22 =	simm.s32 $0x8080  }
0x1c6: {  	[tilespmem:s22], [sflag:$0x1] =	stream.indirect_vreg.gather [hbm4b:s6+s3], $0x80, v3, vm0, $0xb8;
	[tilespmem:$0xD080] =	vst v63  }
0x1c7: {  	s23 =	simm.s32 $0x8880  }
0x1c8: {  	[tilespmem:s23], [sflag:$0x1] =	stream.indirect_vreg.gather [hbm4b:s7+s3], $0x80, v3, vm0, $0xb8;
	[tilespmem:$0xD080] =	vst v63  }
0x1c9: {  	s24 =	simm.s32 $0x9080  }
0x1ca: {  	[tilespmem:s24], [sflag:$0x1] =	stream.indirect_vreg.gather [hbm4b:s8+s3], $0x80, v3, vm0, $0xb8;
	[tilespmem:$0xD080] =	vst v63  }
0x1cb: {  	s25 =	simm.s32 $0x9880  }
0x1cc: {  	[tilespmem:s25], [sflag:$0x1] =	stream.indirect_vreg.gather [hbm4b:s9+s3], $0x80, v3, vm0, $0xb8;
	[tilespmem:$0xD080] =	vst v63  }
0x1cd: {  	s26 =	simm.s32 $0xA080  }
0x1ce: {  	[tilespmem:s26], [sflag:$0x1] =	stream.indirect_vreg.gather [hbm4b:s10+s3], $0x80, v3, vm0, $0xb8;
	[tilespmem:$0xD080] =	vst v63  }
0x1cf: {  	s28 =	simm.s32 $0xA880  }
0x1d0: {  	[tilespmem:s28], [sflag:$0x1] =	stream.indirect_vreg.gather [hbm4b:s11+s3], $0x80, v3, vm0, $0xb8;
	[tilespmem:$0xD080] =	vst v63  }
0x1d1: {  	s29 =	simm.s32 $0xB080  }
0x1d2: {  	[tilespmem:s29], [sflag:$0x1] =	stream.indirect_vreg.gather [hbm4b:s12+s3], $0x80, v3, vm0, $0xb8;
	[tilespmem:$0xD080] =	vst v63  }
0x1d3: {  	s30 =	simm.s32 $0xB880  }
0x1d4: {  	[tilespmem:s30], [sflag:$0x1] =	stream.indirect_vreg.gather [hbm4b:s13+s3], $0x80, v3, vm0, $0xb8;
	[tilespmem:$0xD080] =	vst v63  }
0x1d5: {  	s30 =	simm.s32 $0xC080  }
0x1d6: {  	[tilespmem:s30], [sflag:$0x1] =	stream.indirect_vreg.gather [hbm4b:s14+s3], $0x80, v3, vm0, $0xb8;
	[tilespmem:$0xD080] =	vst v63  }
0x1d7: {  	s0 =	simm.s32 $0xC880  }
0x1d8: {  	[tilespmem:s0], [sflag:$0x1] =	stream.indirect_vreg.gather [hbm4b:s15+s3], $0x80, v3, vm0, $0xb8;
	[tilespmem:$0xD080] =	vst v63  }
0x1d9: {  	_ =	swait.ge [sflag:s31], $0xD000  }
0x1da: {  	[sflag:s31] =	ssyncset.done $0x0  }
0x1db: {  	s0 =	rddreg [dreg:$0xa];
	[sflag:s31] =	ssyncadd.s32 $0xFFFF3000  }
0x1dc: {  	[hbm4b:s0+s3] =	stream.linear.scatter [tilespmem:s18], [sflag:$0x2], $0xD000, $0x38;
	[tilespmem:$0xD080] =	vst v63  }
0x1dd: {  	_ =	swait.ge [sflag:s17], $0xD000  }
0x1de: {  	[sflag:s17] =	ssyncset.done $0x0  }
0x1df: {  	[sflag:s17] =	ssyncadd.s32 $0xFFFF3000  }
0x1e0: {  	v3 =	vld [tilespmem:$0x70];
	_ =	sdelay $0x4  }
0x1e1: {  	v63 =	vshrl.u32 v3, $0x3  }
0x1e2: {  	v4 =	vmul.u32 $0xD0, v63  }
0x1e3: {  	v3 =	vand.u32 $0x7, v3  }
0x1e4: {  	v3 =	vor.u32 v3, v4  }
0x1e5: {  	v4 =	vperm.xlane v3, v0;
	_ =	sdelay $0x1  }
0x1e6: {  	v4 =	vadd.s32 v1, v4;
	_ =	sdelay $0x4  }
0x1e7: {  	[tilespmem:s18], [sflag:$0x1] =	stream.indirect_vreg.gather [hbm4b:s2+s3], $0x80, v4, vm0, $0xb8;
	[tilespmem:$0xD080] =	vst v63  }
0x1e8: {  	s0 =	simm.s32 $0x880  }
0x1e9: {  	[tilespmem:s0], [sflag:$0x1] =	stream.indirect_vreg.gather [hbm4b:s4+s3], $0x80, v4, vm0, $0xb8;
	[tilespmem:$0xD080] =	vst v63  }
0x1ea: {  	s0 =	simm.s32 $0x1080  }
0x1eb: {  	[tilespmem:s0], [sflag:$0x1] =	stream.indirect_vreg.gather [hbm4b:s5+s3], $0x80, v4, vm0, $0xb8;
	[tilespmem:$0xD080] =	vst v63  }
0x1ec: {  	s0 =	simm.s32 $0x1880  }
0x1ed: {  	[tilespmem:s0], [sflag:$0x1] =	stream.indirect_vreg.gather [hbm4b:s6+s3], $0x80, v4, vm0, $0xb8;
	[tilespmem:$0xD080] =	vst v63  }
0x1ee: {  	s0 =	simm.s32 $0x2080  }
0x1ef: {  	[tilespmem:s0], [sflag:$0x1] =	stream.indirect_vreg.gather [hbm4b:s7+s3], $0x80, v4, vm0, $0xb8;
	[tilespmem:$0xD080] =	vst v63  }
0x1f0: {  	s0 =	simm.s32 $0x2880  }
0x1f1: {  	[tilespmem:s0], [sflag:$0x1] =	stream.indirect_vreg.gather [hbm4b:s8+s3], $0x80, v4, vm0, $0xb8;
	[tilespmem:$0xD080] =	vst v63  }
0x1f2: {  	s0 =	simm.s32 $0x3080  }
0x1f3: {  	[tilespmem:s0], [sflag:$0x1] =	stream.indirect_vreg.gather [hbm4b:s9+s3], $0x80, v4, vm0, $0xb8;
	[tilespmem:$0xD080] =	vst v63  }
0x1f4: {  	s0 =	simm.s32 $0x3880  }
0x1f5: {  	[tilespmem:s0], [sflag:$0x1] =	stream.indirect_vreg.gather [hbm4b:s10+s3], $0x80, v4, vm0, $0xb8;
	[tilespmem:$0xD080] =	vst v63  }
0x1f6: {  	s0 =	simm.s32 $0x4080  }
0x1f7: {  	[tilespmem:s0], [sflag:$0x1] =	stream.indirect_vreg.gather [hbm4b:s11+s3], $0x80, v4, vm0, $0xb8;
	[tilespmem:$0xD080] =	vst v63  }
0x1f8: {  	s0 =	simm.s32 $0x4880  }
0x1f9: {  	[tilespmem:s0], [sflag:$0x1] =	stream.indirect_vreg.gather [hbm4b:s12+s3], $0x80, v4, vm0, $0xb8;
	[tilespmem:$0xD080] =	vst v63  }
0x1fa: {  	v3 =	vperm.xlane v3, v2;
	s0 =	simm.s32 $0x5080  }
0x1fb: {  	[tilespmem:s0], [sflag:$0x1] =	stream.indirect_vreg.gather [hbm4b:s13+s3], $0x80, v4, vm0, $0xb8;
	[tilespmem:$0xD080] =	vst v63  }
0x1fc: {  	v3 =	vadd.s32 v1, v3;
	s0 =	simm.s32 $0x5880  }
0x1fd: {  	[tilespmem:s0], [sflag:$0x1] =	stream.indirect_vreg.gather [hbm4b:s14+s3], $0x80, v4, vm0, $0xb8;
	[tilespmem:$0xD080] =	vst v63  }
0x1fe: {  	s0 =	simm.s32 $0x6080  }
0x1ff: {  	[tilespmem:s0], [sflag:$0x1] =	stream.indirect_vreg.gather [hbm4b:s15+s3], $0x80, v4, vm0, $0xb8;
	[tilespmem:$0xD080] =	vst v63  }
0x200: {  	s1 =	simm.s32 $0x6880  }
0x201: {  	[tilespmem:s1], [sflag:$0x1] =	stream.indirect_vreg.gather [hbm4b:s2+s3], $0x80, v3, vm0, $0xb8;
	[tilespmem:$0xD080] =	vst v63  }
0x202: {  	s19 =	simm.s32 $0x7080  }
0x203: {  	[tilespmem:s19], [sflag:$0x1] =	stream.indirect_vreg.gather [hbm4b:s4+s3], $0x80, v3, vm0, $0xb8;
	[tilespmem:$0xD080] =	vst v63  }
0x204: {  	s20 =	simm.s32 $0x7880  }
0x205: {  	[tilespmem:s20], [sflag:$0x1] =	stream.indirect_vreg.gather [hbm4b:s5+s3], $0x80, v3, vm0, $0xb8;
	[tilespmem:$0xD080] =	vst v63  }
0x206: {  	s21 =	simm.s32 $0x8080  }
0x207: {  	[tilespmem:s21], [sflag:$0x1] =	stream.indirect_vreg.gather [hbm4b:s6+s3], $0x80, v3, vm0, $0xb8;
	[tilespmem:$0xD080] =	vst v63  }
0x208: {  	s22 =	simm.s32 $0x8880  }
0x209: {  	[tilespmem:s22], [sflag:$0x1] =	stream.indirect_vreg.gather [hbm4b:s7+s3], $0x80, v3, vm0, $0xb8;
	[tilespmem:$0xD080] =	vst v63  }
0x20a: {  	s23 =	simm.s32 $0x9080  }
0x20b: {  	[tilespmem:s23], [sflag:$0x1] =	stream.indirect_vreg.gather [hbm4b:s8+s3], $0x80, v3, vm0, $0xb8;
	[tilespmem:$0xD080] =	vst v63  }
0x20c: {  	s24 =	simm.s32 $0x9880  }
0x20d: {  	[tilespmem:s24], [sflag:$0x1] =	stream.indirect_vreg.gather [hbm4b:s9+s3], $0x80, v3, vm0, $0xb8;
	[tilespmem:$0xD080] =	vst v63  }
0x20e: {  	s25 =	simm.s32 $0xA080  }
0x20f: {  	[tilespmem:s25], [sflag:$0x1] =	stream.indirect_vreg.gather [hbm4b:s10+s3], $0x80, v3, vm0, $0xb8;
	[tilespmem:$0xD080] =	vst v63  }
0x210: {  	s26 =	simm.s32 $0xA880  }
0x211: {  	[tilespmem:s26], [sflag:$0x1] =	stream.indirect_vreg.gather [hbm4b:s11+s3], $0x80, v3, vm0, $0xb8;
	[tilespmem:$0xD080] =	vst v63  }
0x212: {  	s28 =	simm.s32 $0xB080  }
0x213: {  	[tilespmem:s28], [sflag:$0x1] =	stream.indirect_vreg.gather [hbm4b:s12+s3], $0x80, v3, vm0, $0xb8;
	[tilespmem:$0xD080] =	vst v63  }
0x214: {  	s29 =	simm.s32 $0xB880  }
0x215: {  	[tilespmem:s29], [sflag:$0x1] =	stream.indirect_vreg.gather [hbm4b:s13+s3], $0x80, v3, vm0, $0xb8;
	[tilespmem:$0xD080] =	vst v63  }
0x216: {  	s30 =	simm.s32 $0xC080  }
0x217: {  	[tilespmem:s30], [sflag:$0x1] =	stream.indirect_vreg.gather [hbm4b:s14+s3], $0x80, v3, vm0, $0xb8;
	[tilespmem:$0xD080] =	vst v63  }
0x218: {  	s29 =	simm.s32 $0xC880  }
0x219: {  	[tilespmem:s29], [sflag:$0x1] =	stream.indirect_vreg.gather [hbm4b:s15+s3], $0x80, v3, vm0, $0xb8;
	[tilespmem:$0xD080] =	vst v63  }
0x21a: {  	_ =	swait.ge [sflag:s31], $0xD000  }
0x21b: {  	p0 =	sne.s32 s16, $0x1;
	[sflag:s31] =	ssyncset.done $0x0  }
.Ltmp0:
0x21c: {  	s30 =	rddreg [dreg:$0xb];
	[sflag:s31] =	ssyncadd.s32 $0xFFFF3000;
	(pc) =	sbr.rel @p0 .LBB2_1-.Ltmp0, $4  }
0x21d: {  	[hbm4b:s30+s3] =	stream.linear.scatter [tilespmem:s18], [sflag:$0x2], $0xD000, $0x38;
	[tilespmem:$0xD080] =	vst v63  }
0x21e: {  	_ =	swait.ge [sflag:s17], $0xD000  }
0x21f: {  	[sflag:s17] =	ssyncset.done $0x0  }
0x220: {  	s16 =	sadd.s32 $0xFFFFFFFF, s16;
	[sflag:s17] =	ssyncadd.s32 $0xFFFF3000  }
0x221: {  	_ =	sfence.sel $0x180000  }
0x222: {  	[bflag:$0x0] =	sbarrier.arrive $0xFFFF  }
0x223: {  	_ =	strace $0x90000047  }
0x224: {  	s0 =	stileid.u32;
	[bflag:$0x2] =	sbarrier.arrive $0xFFFF  }
0x225: {  	p0 =	sne.s32 s0, $0x0;
	s0 =	rddreg [dreg:$0x2]  }
0x226: {  	s0 =	sadd.s32 @!p0 $0x100000, s0  }
0x227: {  	[sflag:s0] =	ssyncadd.tile.s32 @!p0 $0x1;
	_ =	shalt  }
.Lfunc_end2:
_tile_overlayer_lowered:
.L_overlay_start_2:
0x228: {  	(tag) =	ssettag $0x2  }
0x229: {  	s0 =	rddreg [dreg:$0x0];
	s2 =	stileid.u32  }
0x22a: {  	s1 =	rddreg [dreg:$0x1];
	p0 =	sne.s32 s2, $0x0  }
0x22b: {  	s3 =	rddreg [dreg:$0x2];
	[bflag:$0x3] =	sbarrier.arrive $0xFFFF;
	s2 =	simm.s32 @!p0 $0x1C02  }
0x22c: {  	[timem:s3], [sflag:s2] =	dma.local @!p0 [hbm:s0], s1  }
0x22d: {  	s0 =	simm.s32 @!p0 $0x2  }
0x22e: {  	_ =	swait.ge @!p0 [sflag:s0], s1  }
0x22f: {  	s1 =	ssub.s32 @!p0 $0x0, s1;
	[sflag:s0] =	ssyncset.done @!p0 $0x0  }
0x230: {  	[sflag:s0] =	ssyncadd.s32 @!p0 s1  }
0x231: {  	[bflag:$0x3] =	sbarrier.arrive $0xFFFF  }
0x232: {  	_ =	shalt  }

</sc_bundles>
